<compile_context>
chip_gen: v7x
topology: tpu7x:2x2x1
jax: 0.10.2.dev20260603
libtpu: 0.0.44.dev20260713+nightly
codegen_flags: <defaults>
</compile_context>

<pallas_src>
import jax
import jax.numpy as jnp
from jax import lax
from jax.experimental import pallas as pl
from jax.experimental.pallas import tpu as pltpu
from jax.experimental.pallas import tpu_sc as plsc

C = 256
T = 500
NT = T + 2
EPS = 1e-6
B, L = 4096, 50
N = B * L
NC, NS = 2, 16
NW = NC * NS
NPW = N // NW
CH = 64
NCHUNK = NPW // CH
LANES = 16
JC = C // LANES


def _sc_body(tbl, xs, xe, tt, w, out,
             xs_v, xe_v, tt_v, idx1_v, idx2_v,
             rows_a, rows_b, w_v, out_v,
             sem_a, sem_b, sem_w):
    wid = lax.axis_index("s") * NC + lax.axis_index("c")
    base = wid * NPW

    pltpu.sync_copy(xs.at[pl.ds(base, NPW)], xs_v)
    pltpu.sync_copy(xe.at[pl.ds(base, NPW)], xe_v)
    pltpu.sync_copy(tt.at[pl.ds(base, NPW)], tt_v)

    def idx_body(k, carry):
        sl = pl.ds(k * LANES, LANES)
        tv = tt_v[sl]
        idx1_v[sl] = tv * C + xs_v[sl]
        idx2_v[sl] = (T + 1 - tv) * C + xe_v[sl]
        return carry

    lax.fori_loop(0, NPW // LANES, idx_body, 0)

    lane = lax.iota(jnp.int32, LANES)

    def chunk_body(cidx, carry):
        off = cidx * CH
        ca = pltpu.async_copy(tbl.at[idx1_v.at[pl.ds(off, CH)]], rows_a, sem_a)
        cb = pltpu.async_copy(tbl.at[idx2_v.at[pl.ds(off, CH)]], rows_b, sem_b)
        cw = pltpu.async_copy(w.at[pl.ds((base + off) * C, CH * C)], w_v, sem_w)
        ca.wait()
        cb.wait()
        cw.wait()

        skew = lane * 17

        def group_body(g, gcarry):
            tok = lane + g * LANES

            def j_body(s, jc):
                mx, mi = jc
                jv = (skew + s) & (C - 1)
                a = plsc.load_gather(rows_a, [tok, jv])
                b = plsc.load_gather(rows_b, [tok, jv])
                wv = plsc.load_gather(w_v, [tok * C + jv])
                v = (a + EPS) * (b + EPS) * wv
                upd = v > mx
                mx = jnp.where(upd, v, mx)
                mi = jnp.where(upd, jv, mi)
                return (mx, mi)

            _, mi = lax.fori_loop(
                0, C, j_body,
                (jnp.full((LANES,), -1.0, jnp.float32),
                 jnp.zeros((LANES,), jnp.int32)),
                unroll=8)
            sl = pl.ds(off + g * LANES, LANES)
            out_v[sl] = jnp.where(tt_v[sl] == T + 1, xe_v[sl], mi)
            return gcarry

        lax.fori_loop(0, CH // LANES, group_body, 0)
        return carry

    lax.fori_loop(0, NCHUNK, chunk_body, 0)
    pltpu.sync_copy(out_v, out.at[pl.ds(base, NPW)])


_sc_call = pl.kernel(
    _sc_body,
    out_type=jax.ShapeDtypeStruct((N,), jnp.int32),
    mesh=plsc.VectorSubcoreMesh(core_axis_name="c", subcore_axis_name="s"),
    compiler_params=pltpu.CompilerParams(use_tc_tiling_on_sc=False,
                                         needs_layout_passes=False),
    scratch_types=[
        pltpu.VMEM((NPW,), jnp.int32),
        pltpu.VMEM((NPW,), jnp.int32),
        pltpu.VMEM((NPW,), jnp.int32),
        pltpu.VMEM((NPW,), jnp.int32),
        pltpu.VMEM((NPW,), jnp.int32),
        pltpu.VMEM((CH, C), jnp.float32),
        pltpu.VMEM((CH, C), jnp.float32),
        pltpu.VMEM((CH * C,), jnp.float32),
        pltpu.VMEM((NPW,), jnp.int32),
        pltpu.SemaphoreType.DMA,
        pltpu.SemaphoreType.DMA,
        pltpu.SemaphoreType.DMA,
    ],
)


def kernel(x_start, x_end, t, p_onestep, p_cum):
    tbl = p_cum.reshape(NT * C, C)
    xs = x_start.reshape(N)
    xe = x_end.reshape(N)
    tt = jnp.repeat(t, L)
    u = jax.random.uniform(jax.random.fold_in(jax.random.key(0), 1),
                           (N * C,), dtype=jnp.float32)
    u = jnp.clip(u, jnp.finfo(jnp.float32).tiny, 1.0)
    w = 1.0 / (-jnp.log(u))
    out = _sc_call(tbl, xs, xe, tt, w)
    return out.reshape(B, L)

# --- scband reference (transcript-rebuilt; emitter-appended) ---
"""Pipeline reference for scband-prior-52527450030469 (READ-ONLY COPY).

The authoritative reference and input builder live on the scoring server;
editing this copy changes nothing except your own understanding.
"""

import jax, jax.numpy as jnp
import numpy as np

NUM_CATEGORIES = 256
NUM_TIMESTEPS = 500
NUM_SKIP_STEPS = 1
ALPHA = 0.02
EPS = 1e-6


def _uniform_prior():
    C = NUM_CATEGORIES
    M = np.full((C, C), ALPHA / (C - 1), dtype=np.float64)
    np.fill_diagonal(M, 1.0 - ALPHA)
    M = np.linalg.matrix_power(M, NUM_SKIP_STEPS)
    onestep = np.concatenate(
        [np.eye(C, dtype=np.float64)[None], np.repeat(M[None], NUM_TIMESTEPS + 1, axis=0)],
        axis=0,
    )
    cum = np.empty_like(onestep)
    cum[0] = onestep[0]
    for tt in range(1, onestep.shape[0]):
        cum[tt] = cum[tt - 1] @ onestep[tt]
    return onestep.transpose(0, 2, 1), cum


def setup_inputs(seed: int = 0) -> dict:
    key = jax.random.key(seed)
    k1, k2, k3 = jax.random.split(key, 3)
    B, L = 4096, 50
    x_start = jax.random.randint(k1, (B, L), 0, NUM_CATEGORIES, dtype=jnp.int32)
    x_end = jax.random.randint(k2, (B, L), 0, NUM_CATEGORIES, dtype=jnp.int32)
    t = jax.random.randint(k3, (B,), 0, NUM_TIMESTEPS + 2, dtype=jnp.int32)
    p_onestep_np, p_cum_np = _uniform_prior()
    p_onestep = jnp.asarray(p_onestep_np, dtype=jnp.float32)
    p_cum = jnp.asarray(p_cum_np, dtype=jnp.float32)
    return {"x_start": x_start, "x_end": x_end, "t": t, "p_onestep": p_onestep, "p_cum": p_cum}


def reference(x_start, x_end, t, p_onestep, p_cum):
    # Prior.sample_bridge: samples x_t ~ p(x_t | x_0, x_1) via two gathers from the
    # cumulative transition matrices + Gumbel-max trick.
    T = NUM_TIMESTEPS
    t_b = t[:, None]  # broadcast(t, x_start.dim()-1)
    # probs('cumulative', t, x_start=x_start) -> p_cum[t, x_start]  : (B, L, C)
    p_start_t = p_cum[t_b, x_start]
    # probs('cumulative', T+1-t, x_end=x_end) -> p_cum[T+1-t, :, x_end] : (B, L, C)
    p_t_end = p_cum[(T + 1 - t)[:, None], :, x_end]
    log_probs = jnp.log(p_start_t + EPS) + jnp.log(p_t_end + EPS)
    noise = jax.random.uniform(jax.random.fold_in(jax.random.key(0), 1), log_probs.shape, dtype=log_probs.dtype)
    tiny = jnp.finfo(log_probs.dtype).tiny
    noise = jnp.clip(noise, tiny, 1.0)
    gumbel = -jnp.log(-jnp.log(noise))
    x_t = jnp.argmax(log_probs + gumbel, axis=-1)
    is_final = t_b == (T + 1)
    x_t = jnp.where(is_final, x_end, x_t)
    return x_t

if __name__ == "__main__":
    import jax
    _d = setup_inputs()
    print(jax.jit(kernel)(*tuple(_d.values())))

</pallas_src>

<mosaic_0001>
#map = affine_map<(d0, d1) -> (0, 0)>
#map1 = affine_map<(d0, d1) -> (0)>
module attributes {stable_mosaic.version = 14 : i64} {
  func.func @_sc_body(%arg0: i32, %arg1: i32, %arg2: memref<128512x256xf32, #tpu.memory_space<hbm>>, %arg3: memref<204800xi32, #tpu.memory_space<hbm>>, %arg4: memref<204800xi32, #tpu.memory_space<hbm>>, %arg5: memref<204800xi32, #tpu.memory_space<hbm>>, %arg6: memref<52428800xf32, #tpu.memory_space<hbm>>, %arg7: memref<204800xi32, #tpu.memory_space<hbm>>, %arg8: memref<6400xi32, #tpu.memory_space<vmem>>, %arg9: memref<6400xi32, #tpu.memory_space<vmem>>, %arg10: memref<6400xi32, #tpu.memory_space<vmem>>, %arg11: memref<6400xi32, #tpu.memory_space<vmem>>, %arg12: memref<6400xi32, #tpu.memory_space<vmem>>, %arg13: memref<64x256xf32, #tpu.memory_space<vmem>>, %arg14: memref<64x256xf32, #tpu.memory_space<vmem>>, %arg15: memref<16384xf32, #tpu.memory_space<vmem>>, %arg16: memref<6400xi32, #tpu.memory_space<vmem>>, %arg17: memref<!tpu.dma_semaphore, #tpu.memory_space<semaphore_mem>>, %arg18: memref<!tpu.dma_semaphore, #tpu.memory_space<semaphore_mem>>, %arg19: memref<!tpu.dma_semaphore, #tpu.memory_space<semaphore_mem>>) attributes {dimension_semantics = [#tpu.dimension_semantics<core_parallel>, #tpu.dimension_semantics<subcore_parallel>], iteration_bounds = array<i64: 2, 16>, scalar_prefetch = 0 : i64, scratch_operands = 12 : i64, tpu.core_type = #tpu.core_type<sc_vector_subcore>, window_params = [{transform_indices = #map}, {transform_indices = #map1}, {transform_indices = #map1}, {transform_indices = #map1}, {transform_indices = #map1}, {transform_indices = #map1}]} {
    %mul3A = arith.constant 2 : i32
    %mul3A_0 = arith.muli %arg1, %mul3A : i32
    %add3A = arith.addi %mul3A_0, %arg0 : i32
    %mul3A_1 = arith.constant 6400 : i32
    %mul3A_2 = arith.muli %add3A, %mul3A_1 : i32
    "tpu.region"() ({
      %run_scoped3A = tpu.sem_alloc : memref<!tpu.dma_semaphore, #tpu.memory_space<semaphore_mem>>
      %dma_start3A = tpu.memref_slice %arg3[%mul3A_2] : memref<204800xi32, #tpu.memory_space<hbm>> -> memref<6400xi32, #tpu.memory_space<hbm>>
      %dma_start3A_14 = tpu.memref_slice %arg3[%mul3A_2] : memref<204800xi32, #tpu.memory_space<hbm>> -> memref<6400xi32, #tpu.memory_space<hbm>>
      tpu.enqueue_dma source(%dma_start3A_14 : memref<6400xi32, #tpu.memory_space<hbm>>) target(%arg8 : memref<6400xi32, #tpu.memory_space<vmem>>) target_semaphore(%run_scoped3A : memref<!tpu.dma_semaphore, #tpu.memory_space<semaphore_mem>>)
      %dma_wait3A = tpu.memref_slice %arg3[%mul3A_2] : memref<204800xi32, #tpu.memory_space<hbm>> -> memref<6400xi32, #tpu.memory_space<hbm>>
      %dma_wait3A_15 = tpu.memref_slice %arg3[%mul3A_2] : memref<204800xi32, #tpu.memory_space<hbm>> -> memref<6400xi32, #tpu.memory_space<hbm>>
      tpu.wait_dma2 semaphore(%run_scoped3A : memref<!tpu.dma_semaphore, #tpu.memory_space<semaphore_mem>>) src(%dma_wait3A_15 : memref<6400xi32, #tpu.memory_space<hbm>>) dst(%arg8 : memref<6400xi32, #tpu.memory_space<vmem>>)
      tpu.yield
    }) : () -> ()
    "tpu.region"() ({
      %run_scoped3A = tpu.sem_alloc : memref<!tpu.dma_semaphore, #tpu.memory_space<semaphore_mem>>
      %dma_start3A = tpu.memref_slice %arg4[%mul3A_2] : memref<204800xi32, #tpu.memory_space<hbm>> -> memref<6400xi32, #tpu.memory_space<hbm>>
      %dma_start3A_14 = tpu.memref_slice %arg4[%mul3A_2] : memref<204800xi32, #tpu.memory_space<hbm>> -> memref<6400xi32, #tpu.memory_space<hbm>>
      tpu.enqueue_dma source(%dma_start3A_14 : memref<6400xi32, #tpu.memory_space<hbm>>) target(%arg9 : memref<6400xi32, #tpu.memory_space<vmem>>) target_semaphore(%run_scoped3A : memref<!tpu.dma_semaphore, #tpu.memory_space<semaphore_mem>>)
      %dma_wait3A = tpu.memref_slice %arg4[%mul3A_2] : memref<204800xi32, #tpu.memory_space<hbm>> -> memref<6400xi32, #tpu.memory_space<hbm>>
      %dma_wait3A_15 = tpu.memref_slice %arg4[%mul3A_2] : memref<204800xi32, #tpu.memory_space<hbm>> -> memref<6400xi32, #tpu.memory_space<hbm>>
      tpu.wait_dma2 semaphore(%run_scoped3A : memref<!tpu.dma_semaphore, #tpu.memory_space<semaphore_mem>>) src(%dma_wait3A_15 : memref<6400xi32, #tpu.memory_space<hbm>>) dst(%arg9 : memref<6400xi32, #tpu.memory_space<vmem>>)
      tpu.yield
    }) : () -> ()
    "tpu.region"() ({
      %run_scoped3A = tpu.sem_alloc : memref<!tpu.dma_semaphore, #tpu.memory_space<semaphore_mem>>
      %dma_start3A = tpu.memref_slice %arg5[%mul3A_2] : memref<204800xi32, #tpu.memory_space<hbm>> -> memref<6400xi32, #tpu.memory_space<hbm>>
      %dma_start3A_14 = tpu.memref_slice %arg5[%mul3A_2] : memref<204800xi32, #tpu.memory_space<hbm>> -> memref<6400xi32, #tpu.memory_space<hbm>>
      tpu.enqueue_dma source(%dma_start3A_14 : memref<6400xi32, #tpu.memory_space<hbm>>) target(%arg10 : memref<6400xi32, #tpu.memory_space<vmem>>) target_semaphore(%run_scoped3A : memref<!tpu.dma_semaphore, #tpu.memory_space<semaphore_mem>>)
      %dma_wait3A = tpu.memref_slice %arg5[%mul3A_2] : memref<204800xi32, #tpu.memory_space<hbm>> -> memref<6400xi32, #tpu.memory_space<hbm>>
      %dma_wait3A_15 = tpu.memref_slice %arg5[%mul3A_2] : memref<204800xi32, #tpu.memory_space<hbm>> -> memref<6400xi32, #tpu.memory_space<hbm>>
      tpu.wait_dma2 semaphore(%run_scoped3A : memref<!tpu.dma_semaphore, #tpu.memory_space<semaphore_mem>>) src(%dma_wait3A_15 : memref<6400xi32, #tpu.memory_space<hbm>>) dst(%arg10 : memref<6400xi32, #tpu.memory_space<vmem>>)
      tpu.yield
    }) : () -> ()
    %scan3A = arith.constant 0 : i32
    %scan3A_3 = arith.constant 0 : i32
    %scan3A_4 = arith.constant 400 : i32
    %scan3A_5 = arith.addi %scan3A_3, %scan3A_4 : i32
    %scan3A_6 = arith.constant 1 : i32
    scf.for %scan3A_14 = %scan3A_3 to %scan3A_5 step %scan3A_6  : i32 {
      %mul3A_15 = arith.constant 16 : i32
      %mul3A_16 = arith.muli %scan3A_14, %mul3A_15 : i32
      %get3A = arith.index_cast %mul3A_16 : i32 to index
      %get3A_17 = tpu.vector_load %arg10[%get3A] {strides = array<i32>} : memref<6400xi32, #tpu.memory_space<vmem>>, vector<16xi32>,
      %mul3A_18 = arith.constant 256 : i32
      %mul3A_19 = vector.broadcast %mul3A_18 : i32 to vector<16xi32>
      %mul3A_20 = arith.muli %get3A_17, %mul3A_19 : vector<16xi32>
      %get3A_21 = arith.index_cast %mul3A_16 : i32 to index
      %get3A_22 = tpu.vector_load %arg8[%get3A_21] {strides = array<i32>} : memref<6400xi32, #tpu.memory_space<vmem>>, vector<16xi32>,
      %add3A_23 = arith.addi %mul3A_20, %get3A_22 : vector<16xi32>
      %swap3A = arith.index_cast %mul3A_16 : i32 to index
      %swap3A_24 = tpu.vector_load %arg11[%swap3A] {strides = array<i32>} : memref<6400xi32, #tpu.memory_space<vmem>>, vector<16xi32>,
      tpu.vector_store %arg11[%swap3A], %add3A_23 {strides = array<i32>} : memref<6400xi32, #tpu.memory_space<vmem>>, vector<16xi32>,
      %sub3A = arith.constant 501 : i32
      %sub3A_25 = vector.broadcast %sub3A : i32 to vector<16xi32>
      %sub3A_26 = arith.subi %sub3A_25, %get3A_17 : vector<16xi32>
      %mul3A_27 = arith.constant 256 : i32
      %mul3A_28 = vector.broadcast %mul3A_27 : i32 to vector<16xi32>
      %mul3A_29 = arith.muli %sub3A_26, %mul3A_28 : vector<16xi32>
      %get3A_30 = arith.index_cast %mul3A_16 : i32 to index
      %get3A_31 = tpu.vector_load %arg9[%get3A_30] {strides = array<i32>} : memref<6400xi32, #tpu.memory_space<vmem>>, vector<16xi32>,
      %add3A_32 = arith.addi %mul3A_29, %get3A_31 : vector<16xi32>
      %swap3A_33 = arith.index_cast %mul3A_16 : i32 to index
      %swap3A_34 = tpu.vector_load %arg12[%swap3A_33] {strides = array<i32>} : memref<6400xi32, #tpu.memory_space<vmem>>, vector<16xi32>,
      tpu.vector_store %arg12[%swap3A_33], %add3A_32 {strides = array<i32>} : memref<6400xi32, #tpu.memory_space<vmem>>, vector<16xi32>,
    }
    %scan3A_7 = arith.constant 400 : i32
    %iota3A = tpu.iota {dimensions = array<i32: 0>} : vector<16xi32>
    %scan3A_8 = arith.constant 0 : i32
    %scan3A_9 = arith.constant 0 : i32
    %scan3A_10 = arith.constant 100 : i32
    %scan3A_11 = arith.addi %scan3A_9, %scan3A_10 : i32
    %scan3A_12 = arith.constant 1 : i32
    scf.for %scan3A_14 = %scan3A_9 to %scan3A_11 step %scan3A_12  : i32 {
      %mul3A_15 = arith.constant 64 : i32
      %mul3A_16 = arith.muli %scan3A_14, %mul3A_15 : i32
      %dma_start3A = tpu.memref_slice %arg11[%mul3A_16] : memref<6400xi32, #tpu.memory_space<vmem>> -> memref<64xi32, #tpu.memory_space<vmem>>
      %dma_start3A_17 = arith.constant 0 : i32
      %dma_start3A_18 = arith.constant 0 : i32
      %dma_start3A_19 = tpu.memref_slice %arg2[%dma_start3A_17, %dma_start3A_18] : memref<128512x256xf32, #tpu.memory_space<hbm>> -> memref<128512x256xf32, #tpu.memory_space<hbm>>
      tpu.enqueue_indirect_dma source(%dma_start3A_19 : memref<128512x256xf32, #tpu.memory_space<hbm>>) target(%arg13 : memref<64x256xf32, #tpu.memory_space<vmem>>) offsets(%dma_start3A : memref<64xi32, #tpu.memory_space<vmem>>) semaphore(%arg17 : memref<!tpu.dma_semaphore, #tpu.memory_space<semaphore_mem>>)
      %dma_start3A_20 = tpu.memref_slice %arg12[%mul3A_16] : memref<6400xi32, #tpu.memory_space<vmem>> -> memref<64xi32, #tpu.memory_space<vmem>>
      %dma_start3A_21 = arith.constant 0 : i32
      %dma_start3A_22 = arith.constant 0 : i32
      %dma_start3A_23 = tpu.memref_slice %arg2[%dma_start3A_21, %dma_start3A_22] : memref<128512x256xf32, #tpu.memory_space<hbm>> -> memref<128512x256xf32, #tpu.memory_space<hbm>>
      tpu.enqueue_indirect_dma source(%dma_start3A_23 : memref<128512x256xf32, #tpu.memory_space<hbm>>) target(%arg14 : memref<64x256xf32, #tpu.memory_space<vmem>>) offsets(%dma_start3A_20 : memref<64xi32, #tpu.memory_space<vmem>>) semaphore(%arg18 : memref<!tpu.dma_semaphore, #tpu.memory_space<semaphore_mem>>)
      %add3A_24 = arith.addi %mul3A_2, %mul3A_16 : i32
      %mul3A_25 = arith.constant 256 : i32
      %mul3A_26 = arith.muli %add3A_24, %mul3A_25 : i32
      %dma_start3A_27 = tpu.memref_slice %arg6[%mul3A_26] : memref<52428800xf32, #tpu.memory_space<hbm>> -> memref<16384xf32, #tpu.memory_space<hbm>>
      %dma_start3A_28 = tpu.memref_slice %arg6[%mul3A_26] : memref<52428800xf32, #tpu.memory_space<hbm>> -> memref<16384xf32, #tpu.memory_space<hbm>>
      tpu.enqueue_dma source(%dma_start3A_28 : memref<16384xf32, #tpu.memory_space<hbm>>) target(%arg15 : memref<16384xf32, #tpu.memory_space<vmem>>) target_semaphore(%arg19 : memref<!tpu.dma_semaphore, #tpu.memory_space<semaphore_mem>>)
      %dma_wait3A = tpu.memref_slice %arg11[%mul3A_16] : memref<6400xi32, #tpu.memory_space<vmem>> -> memref<64xi32, #tpu.memory_space<vmem>>
      %dma_wait3A_29 = arith.constant 0 : i32
      %dma_wait3A_30 = arith.constant 0 : i32
      %dma_wait3A_31 = tpu.memref_slice %arg2[%dma_wait3A_29, %dma_wait3A_30] : memref<128512x256xf32, #tpu.memory_space<hbm>> -> memref<128512x256xf32, #tpu.memory_space<hbm>>
      tpu.wait_indirect_dma semaphore(%arg17 : memref<!tpu.dma_semaphore, #tpu.memory_space<semaphore_mem>>) src(%dma_wait3A_31 : memref<128512x256xf32, #tpu.memory_space<hbm>>) dst(%arg13 : memref<64x256xf32, #tpu.memory_space<vmem>>)
      %dma_wait3A_32 = tpu.memref_slice %arg12[%mul3A_16] : memref<6400xi32, #tpu.memory_space<vmem>> -> memref<64xi32, #tpu.memory_space<vmem>>
      %dma_wait3A_33 = arith.constant 0 : i32
      %dma_wait3A_34 = arith.constant 0 : i32
      %dma_wait3A_35 = tpu.memref_slice %arg2[%dma_wait3A_33, %dma_wait3A_34] : memref<128512x256xf32, #tpu.memory_space<hbm>> -> memref<128512x256xf32, #tpu.memory_space<hbm>>
      tpu.wait_indirect_dma semaphore(%arg18 : memref<!tpu.dma_semaphore, #tpu.memory_space<semaphore_mem>>) src(%dma_wait3A_35 : memref<128512x256xf32, #tpu.memory_space<hbm>>) dst(%arg14 : memref<64x256xf32, #tpu.memory_space<vmem>>)
      %dma_wait3A_36 = tpu.memref_slice %arg6[%mul3A_26] : memref<52428800xf32, #tpu.memory_space<hbm>> -> memref<16384xf32, #tpu.memory_space<hbm>>
      %dma_wait3A_37 = tpu.memref_slice %arg6[%mul3A_26] : memref<52428800xf32, #tpu.memory_space<hbm>> -> memref<16384xf32, #tpu.memory_space<hbm>>
      tpu.wait_dma2 semaphore(%arg19 : memref<!tpu.dma_semaphore, #tpu.memory_space<semaphore_mem>>) src(%dma_wait3A_37 : memref<16384xf32, #tpu.memory_space<hbm>>) dst(%arg15 : memref<16384xf32, #tpu.memory_space<vmem>>)
      %mul3A_38 = arith.constant 17 : i32
      %mul3A_39 = vector.broadcast %mul3A_38 : i32 to vector<16xi32>
      %mul3A_40 = arith.muli %iota3A, %mul3A_39 : vector<16xi32>
      %scan3A_41 = arith.constant 0 : i32
      %scan3A_42 = arith.constant 0 : i32
      %scan3A_43 = arith.constant 4 : i32
      %scan3A_44 = arith.addi %scan3A_42, %scan3A_43 : i32
      %scan3A_45 = arith.constant 1 : i32
      scf.for %scan3A_47 = %scan3A_42 to %scan3A_44 step %scan3A_45  : i32 {
        %mul3A_48 = arith.constant 16 : i32
        %mul3A_49 = arith.muli %scan3A_47, %mul3A_48 : i32
        %add3A_50 = vector.broadcast %mul3A_49 : i32 to vector<16xi32>
        %add3A_51 = arith.addi %iota3A, %add3A_50 : vector<16xi32>
        %broadcast_in_dim3A = arith.constant -1.000000e+00 : f32
        %broadcast_in_dim3A_52 = vector.broadcast %broadcast_in_dim3A : f32 to vector<16xf32>
        %broadcast_in_dim3A_53 = arith.constant 0 : i32
        %broadcast_in_dim3A_54 = vector.broadcast %broadcast_in_dim3A_53 : i32 to vector<16xi32>
        %scan3A_55 = arith.constant 0 : i32
        %scan3A_56 = arith.constant 256 : i32
        %scan3A_57 = arith.addi %scan3A_55, %scan3A_56 : i32
        %scan3A_58 = arith.constant 8 : i32
        %scan3A_59:2 = scf.for %scan3A_70 = %scan3A_55 to %scan3A_57 step %scan3A_58 iter_args(%scan3A_71 = %broadcast_in_dim3A_52, %scan3A_72 = %broadcast_in_dim3A_54) -> (vector<16xf32>, vector<16xi32>)  : i32 {
          %add3A_73 = vector.broadcast %scan3A_70 : i32 to vector<16xi32>
          %add3A_74 = arith.addi %mul3A_40, %add3A_73 : vector<16xi32>
          %and3A = arith.constant 255 : i32
          %and3A_75 = vector.broadcast %and3A : i32 to vector<16xi32>
          %and3A_76 = arith.andi %add3A_74, %and3A_75 : vector<16xi32>
          %gather3A = tpu.vector_load_idx %arg13[%add3A_51, %and3A_76] : memref<64x256xf32, #tpu.memory_space<vmem>>[vector<16xi32>, vector<16xi32>], vector<16xf32>,
          %gather3A_77 = tpu.vector_load_idx %arg14[%add3A_51, %and3A_76] : memref<64x256xf32, #tpu.memory_space<vmem>>[vector<16xi32>, vector<16xi32>], vector<16xf32>,
          %mul3A_78 = arith.constant 256 : i32
          %mul3A_79 = vector.broadcast %mul3A_78 : i32 to vector<16xi32>
          %mul3A_80 = arith.muli %add3A_51, %mul3A_79 : vector<16xi32>
          %add3A_81 = arith.addi %mul3A_80, %and3A_76 : vector<16xi32>
          %gather3A_82 = tpu.vector_load_idx %arg15[%add3A_81] : memref<16384xf32, #tpu.memory_space<vmem>>[vector<16xi32>], vector<16xf32>,
          %add3A_83 = arith.constant 9.99999997E-7 : f32
          %add3A_84 = vector.broadcast %add3A_83 : f32 to vector<16xf32>
          %add3A_85 = arith.addf %gather3A, %add3A_84 : vector<16xf32>
          %add3A_86 = arith.constant 9.99999997E-7 : f32
          %add3A_87 = vector.broadcast %add3A_86 : f32 to vector<16xf32>
          %add3A_88 = arith.addf %gather3A_77, %add3A_87 : vector<16xf32>
          %mul3A_89 = arith.mulf %add3A_85, %add3A_88 : vector<16xf32>
          %mul3A_90 = arith.mulf %mul3A_89, %gather3A_82 : vector<16xf32>
          %gt3A = arith.cmpf ogt, %mul3A_90, %scan3A_71 : vector<16xf32>
          %select_n3A_91 = arith.select %gt3A, %mul3A_90, %scan3A_71 : vector<16xi1>, vector<16xf32>
          %select_n3A_92 = arith.select %gt3A, %and3A_76, %scan3A_72 : vector<16xi1>, vector<16xi32>
          %scan3A_93 = arith.constant 1 : i32
          %scan3A_94 = arith.addi %scan3A_70, %scan3A_93 : i32
          %add3A_95 = vector.broadcast %scan3A_94 : i32 to vector<16xi32>
          %add3A_96 = arith.addi %mul3A_40, %add3A_95 : vector<16xi32>
          %and3A_97 = arith.constant 255 : i32
          %and3A_98 = vector.broadcast %and3A_97 : i32 to vector<16xi32>
          %and3A_99 = arith.andi %add3A_96, %and3A_98 : vector<16xi32>
          %gather3A_100 = tpu.vector_load_idx %arg13[%add3A_51, %and3A_99] : memref<64x256xf32, #tpu.memory_space<vmem>>[vector<16xi32>, vector<16xi32>], vector<16xf32>,
          %gather3A_101 = tpu.vector_load_idx %arg14[%add3A_51, %and3A_99] : memref<64x256xf32, #tpu.memory_space<vmem>>[vector<16xi32>, vector<16xi32>], vector<16xf32>,
          %mul3A_102 = arith.constant 256 : i32
          %mul3A_103 = vector.broadcast %mul3A_102 : i32 to vector<16xi32>
          %mul3A_104 = arith.muli %add3A_51, %mul3A_103 : vector<16xi32>
          %add3A_105 = arith.addi %mul3A_104, %and3A_99 : vector<16xi32>
          %gather3A_106 = tpu.vector_load_idx %arg15[%add3A_105] : memref<16384xf32, #tpu.memory_space<vmem>>[vector<16xi32>], vector<16xf32>,
          %add3A_107 = arith.constant 9.99999997E-7 : f32
          %add3A_108 = vector.broadcast %add3A_107 : f32 to vector<16xf32>
          %add3A_109 = arith.addf %gather3A_100, %add3A_108 : vector<16xf32>
          %add3A_110 = arith.constant 9.99999997E-7 : f32
          %add3A_111 = vector.broadcast %add3A_110 : f32 to vector<16xf32>
          %add3A_112 = arith.addf %gather3A_101, %add3A_111 : vector<16xf32>
          %mul3A_113 = arith.mulf %add3A_109, %add3A_112 : vector<16xf32>
          %mul3A_114 = arith.mulf %mul3A_113, %gather3A_106 : vector<16xf32>
          %gt3A_115 = arith.cmpf ogt, %mul3A_114, %select_n3A_91 : vector<16xf32>
          %select_n3A_116 = arith.select %gt3A_115, %mul3A_114, %select_n3A_91 : vector<16xi1>, vector<16xf32>
          %select_n3A_117 = arith.select %gt3A_115, %and3A_99, %select_n3A_92 : vector<16xi1>, vector<16xi32>
          %scan3A_118 = arith.constant 2 : i32
          %scan3A_119 = arith.addi %scan3A_70, %scan3A_118 : i32
          %add3A_120 = vector.broadcast %scan3A_119 : i32 to vector<16xi32>
          %add3A_121 = arith.addi %mul3A_40, %add3A_120 : vector<16xi32>
          %and3A_122 = arith.constant 255 : i32
          %and3A_123 = vector.broadcast %and3A_122 : i32 to vector<16xi32>
          %and3A_124 = arith.andi %add3A_121, %and3A_123 : vector<16xi32>
          %gather3A_125 = tpu.vector_load_idx %arg13[%add3A_51, %and3A_124] : memref<64x256xf32, #tpu.memory_space<vmem>>[vector<16xi32>, vector<16xi32>], vector<16xf32>,
          %gather3A_126 = tpu.vector_load_idx %arg14[%add3A_51, %and3A_124] : memref<64x256xf32, #tpu.memory_space<vmem>>[vector<16xi32>, vector<16xi32>], vector<16xf32>,
          %mul3A_127 = arith.constant 256 : i32
          %mul3A_128 = vector.broadcast %mul3A_127 : i32 to vector<16xi32>
          %mul3A_129 = arith.muli %add3A_51, %mul3A_128 : vector<16xi32>
          %add3A_130 = arith.addi %mul3A_129, %and3A_124 : vector<16xi32>
          %gather3A_131 = tpu.vector_load_idx %arg15[%add3A_130] : memref<16384xf32, #tpu.memory_space<vmem>>[vector<16xi32>], vector<16xf32>,
          %add3A_132 = arith.constant 9.99999997E-7 : f32
          %add3A_133 = vector.broadcast %add3A_132 : f32 to vector<16xf32>
          %add3A_134 = arith.addf %gather3A_125, %add3A_133 : vector<16xf32>
          %add3A_135 = arith.constant 9.99999997E-7 : f32
          %add3A_136 = vector.broadcast %add3A_135 : f32 to vector<16xf32>
          %add3A_137 = arith.addf %gather3A_126, %add3A_136 : vector<16xf32>
          %mul3A_138 = arith.mulf %add3A_134, %add3A_137 : vector<16xf32>
          %mul3A_139 = arith.mulf %mul3A_138, %gather3A_131 : vector<16xf32>
          %gt3A_140 = arith.cmpf ogt, %mul3A_139, %select_n3A_116 : vector<16xf32>
          %select_n3A_141 = arith.select %gt3A_140, %mul3A_139, %select_n3A_116 : vector<16xi1>, vector<16xf32>
          %select_n3A_142 = arith.select %gt3A_140, %and3A_124, %select_n3A_117 : vector<16xi1>, vector<16xi32>
          %scan3A_143 = arith.constant 3 : i32
          %scan3A_144 = arith.addi %scan3A_70, %scan3A_143 : i32
          %add3A_145 = vector.broadcast %scan3A_144 : i32 to vector<16xi32>
          %add3A_146 = arith.addi %mul3A_40, %add3A_145 : vector<16xi32>
          %and3A_147 = arith.constant 255 : i32
          %and3A_148 = vector.broadcast %and3A_147 : i32 to vector<16xi32>
          %and3A_149 = arith.andi %add3A_146, %and3A_148 : vector<16xi32>
          %gather3A_150 = tpu.vector_load_idx %arg13[%add3A_51, %and3A_149] : memref<64x256xf32, #tpu.memory_space<vmem>>[vector<16xi32>, vector<16xi32>], vector<16xf32>,
          %gather3A_151 = tpu.vector_load_idx %arg14[%add3A_51, %and3A_149] : memref<64x256xf32, #tpu.memory_space<vmem>>[vector<16xi32>, vector<16xi32>], vector<16xf32>,
          %mul3A_152 = arith.constant 256 : i32
          %mul3A_153 = vector.broadcast %mul3A_152 : i32 to vector<16xi32>
          %mul3A_154 = arith.muli %add3A_51, %mul3A_153 : vector<16xi32>
          %add3A_155 = arith.addi %mul3A_154, %and3A_149 : vector<16xi32>
          %gather3A_156 = tpu.vector_load_idx %arg15[%add3A_155] : memref<16384xf32, #tpu.memory_space<vmem>>[vector<16xi32>], vector<16xf32>,
          %add3A_157 = arith.constant 9.99999997E-7 : f32
          %add3A_158 = vector.broadcast %add3A_157 : f32 to vector<16xf32>
          %add3A_159 = arith.addf %gather3A_150, %add3A_158 : vector<16xf32>
          %add3A_160 = arith.constant 9.99999997E-7 : f32
          %add3A_161 = vector.broadcast %add3A_160 : f32 to vector<16xf32>
          %add3A_162 = arith.addf %gather3A_151, %add3A_161 : vector<16xf32>
          %mul3A_163 = arith.mulf %add3A_159, %add3A_162 : vector<16xf32>
          %mul3A_164 = arith.mulf %mul3A_163, %gather3A_156 : vector<16xf32>
          %gt3A_165 = arith.cmpf ogt, %mul3A_164, %select_n3A_141 : vector<16xf32>
          %select_n3A_166 = arith.select %gt3A_165, %mul3A_164, %select_n3A_141 : vector<16xi1>, vector<16xf32>
          %select_n3A_167 = arith.select %gt3A_165, %and3A_149, %select_n3A_142 : vector<16xi1>, vector<16xi32>
          %scan3A_168 = arith.constant 4 : i32
          %scan3A_169 = arith.addi %scan3A_70, %scan3A_168 : i32
          %add3A_170 = vector.broadcast %scan3A_169 : i32 to vector<16xi32>
          %add3A_171 = arith.addi %mul3A_40, %add3A_170 : vector<16xi32>
          %and3A_172 = arith.constant 255 : i32
          %and3A_173 = vector.broadcast %and3A_172 : i32 to vector<16xi32>
          %and3A_174 = arith.andi %add3A_171, %and3A_173 : vector<16xi32>
          %gather3A_175 = tpu.vector_load_idx %arg13[%add3A_51, %and3A_174] : memref<64x256xf32, #tpu.memory_space<vmem>>[vector<16xi32>, vector<16xi32>], vector<16xf32>,
          %gather3A_176 = tpu.vector_load_idx %arg14[%add3A_51, %and3A_174] : memref<64x256xf32, #tpu.memory_space<vmem>>[vector<16xi32>, vector<16xi32>], vector<16xf32>,
          %mul3A_177 = arith.constant 256 : i32
          %mul3A_178 = vector.broadcast %mul3A_177 : i32 to vector<16xi32>
          %mul3A_179 = arith.muli %add3A_51, %mul3A_178 : vector<16xi32>
          %add3A_180 = arith.addi %mul3A_179, %and3A_174 : vector<16xi32>
          %gather3A_181 = tpu.vector_load_idx %arg15[%add3A_180] : memref<16384xf32, #tpu.memory_space<vmem>>[vector<16xi32>], vector<16xf32>,
          %add3A_182 = arith.constant 9.99999997E-7 : f32
          %add3A_183 = vector.broadcast %add3A_182 : f32 to vector<16xf32>
          %add3A_184 = arith.addf %gather3A_175, %add3A_183 : vector<16xf32>
          %add3A_185 = arith.constant 9.99999997E-7 : f32
          %add3A_186 = vector.broadcast %add3A_185 : f32 to vector<16xf32>
          %add3A_187 = arith.addf %gather3A_176, %add3A_186 : vector<16xf32>
          %mul3A_188 = arith.mulf %add3A_184, %add3A_187 : vector<16xf32>
          %mul3A_189 = arith.mulf %mul3A_188, %gather3A_181 : vector<16xf32>
          %gt3A_190 = arith.cmpf ogt, %mul3A_189, %select_n3A_166 : vector<16xf32>
          %select_n3A_191 = arith.select %gt3A_190, %mul3A_189, %select_n3A_166 : vector<16xi1>, vector<16xf32>
          %select_n3A_192 = arith.select %gt3A_190, %and3A_174, %select_n3A_167 : vector<16xi1>, vector<16xi32>
          %scan3A_193 = arith.constant 5 : i32
          %scan3A_194 = arith.addi %scan3A_70, %scan3A_193 : i32
          %add3A_195 = vector.broadcast %scan3A_194 : i32 to vector<16xi32>
          %add3A_196 = arith.addi %mul3A_40, %add3A_195 : vector<16xi32>
          %and3A_197 = arith.constant 255 : i32
          %and3A_198 = vector.broadcast %and3A_197 : i32 to vector<16xi32>
          %and3A_199 = arith.andi %add3A_196, %and3A_198 : vector<16xi32>
          %gather3A_200 = tpu.vector_load_idx %arg13[%add3A_51, %and3A_199] : memref<64x256xf32, #tpu.memory_space<vmem>>[vector<16xi32>, vector<16xi32>], vector<16xf32>,
          %gather3A_201 = tpu.vector_load_idx %arg14[%add3A_51, %and3A_199] : memref<64x256xf32, #tpu.memory_space<vmem>>[vector<16xi32>, vector<16xi32>], vector<16xf32>,
          %mul3A_202 = arith.constant 256 : i32
          %mul3A_203 = vector.broadcast %mul3A_202 : i32 to vector<16xi32>
          %mul3A_204 = arith.muli %add3A_51, %mul3A_203 : vector<16xi32>
          %add3A_205 = arith.addi %mul3A_204, %and3A_199 : vector<16xi32>
          %gather3A_206 = tpu.vector_load_idx %arg15[%add3A_205] : memref<16384xf32, #tpu.memory_space<vmem>>[vector<16xi32>], vector<16xf32>,
          %add3A_207 = arith.constant 9.99999997E-7 : f32
          %add3A_208 = vector.broadcast %add3A_207 : f32 to vector<16xf32>
          %add3A_209 = arith.addf %gather3A_200, %add3A_208 : vector<16xf32>
          %add3A_210 = arith.constant 9.99999997E-7 : f32
          %add3A_211 = vector.broadcast %add3A_210 : f32 to vector<16xf32>
          %add3A_212 = arith.addf %gather3A_201, %add3A_211 : vector<16xf32>
          %mul3A_213 = arith.mulf %add3A_209, %add3A_212 : vector<16xf32>
          %mul3A_214 = arith.mulf %mul3A_213, %gather3A_206 : vector<16xf32>
          %gt3A_215 = arith.cmpf ogt, %mul3A_214, %select_n3A_191 : vector<16xf32>
          %select_n3A_216 = arith.select %gt3A_215, %mul3A_214, %select_n3A_191 : vector<16xi1>, vector<16xf32>
          %select_n3A_217 = arith.select %gt3A_215, %and3A_199, %select_n3A_192 : vector<16xi1>, vector<16xi32>
          %scan3A_218 = arith.constant 6 : i32
          %scan3A_219 = arith.addi %scan3A_70, %scan3A_218 : i32
          %add3A_220 = vector.broadcast %scan3A_219 : i32 to vector<16xi32>
          %add3A_221 = arith.addi %mul3A_40, %add3A_220 : vector<16xi32>
          %and3A_222 = arith.constant 255 : i32
          %and3A_223 = vector.broadcast %and3A_222 : i32 to vector<16xi32>
          %and3A_224 = arith.andi %add3A_221, %and3A_223 : vector<16xi32>
          %gather3A_225 = tpu.vector_load_idx %arg13[%add3A_51, %and3A_224] : memref<64x256xf32, #tpu.memory_space<vmem>>[vector<16xi32>, vector<16xi32>], vector<16xf32>,
          %gather3A_226 = tpu.vector_load_idx %arg14[%add3A_51, %and3A_224] : memref<64x256xf32, #tpu.memory_space<vmem>>[vector<16xi32>, vector<16xi32>], vector<16xf32>,
          %mul3A_227 = arith.constant 256 : i32
          %mul3A_228 = vector.broadcast %mul3A_227 : i32 to vector<16xi32>
          %mul3A_229 = arith.muli %add3A_51, %mul3A_228 : vector<16xi32>
          %add3A_230 = arith.addi %mul3A_229, %and3A_224 : vector<16xi32>
          %gather3A_231 = tpu.vector_load_idx %arg15[%add3A_230] : memref<16384xf32, #tpu.memory_space<vmem>>[vector<16xi32>], vector<16xf32>,
          %add3A_232 = arith.constant 9.99999997E-7 : f32
          %add3A_233 = vector.broadcast %add3A_232 : f32 to vector<16xf32>
          %add3A_234 = arith.addf %gather3A_225, %add3A_233 : vector<16xf32>
          %add3A_235 = arith.constant 9.99999997E-7 : f32
          %add3A_236 = vector.broadcast %add3A_235 : f32 to vector<16xf32>
          %add3A_237 = arith.addf %gather3A_226, %add3A_236 : vector<16xf32>
          %mul3A_238 = arith.mulf %add3A_234, %add3A_237 : vector<16xf32>
          %mul3A_239 = arith.mulf %mul3A_238, %gather3A_231 : vector<16xf32>
          %gt3A_240 = arith.cmpf ogt, %mul3A_239, %select_n3A_216 : vector<16xf32>
          %select_n3A_241 = arith.select %gt3A_240, %mul3A_239, %select_n3A_216 : vector<16xi1>, vector<16xf32>
          %select_n3A_242 = arith.select %gt3A_240, %and3A_224, %select_n3A_217 : vector<16xi1>, vector<16xi32>
          %scan3A_243 = arith.constant 7 : i32
          %scan3A_244 = arith.addi %scan3A_70, %scan3A_243 : i32
          %add3A_245 = vector.broadcast %scan3A_244 : i32 to vector<16xi32>
          %add3A_246 = arith.addi %mul3A_40, %add3A_245 : vector<16xi32>
          %and3A_247 = arith.constant 255 : i32
          %and3A_248 = vector.broadcast %and3A_247 : i32 to vector<16xi32>
          %and3A_249 = arith.andi %add3A_246, %and3A_248 : vector<16xi32>
          %gather3A_250 = tpu.vector_load_idx %arg13[%add3A_51, %and3A_249] : memref<64x256xf32, #tpu.memory_space<vmem>>[vector<16xi32>, vector<16xi32>], vector<16xf32>,
          %gather3A_251 = tpu.vector_load_idx %arg14[%add3A_51, %and3A_249] : memref<64x256xf32, #tpu.memory_space<vmem>>[vector<16xi32>, vector<16xi32>], vector<16xf32>,
          %mul3A_252 = arith.constant 256 : i32
          %mul3A_253 = vector.broadcast %mul3A_252 : i32 to vector<16xi32>
          %mul3A_254 = arith.muli %add3A_51, %mul3A_253 : vector<16xi32>
          %add3A_255 = arith.addi %mul3A_254, %and3A_249 : vector<16xi32>
          %gather3A_256 = tpu.vector_load_idx %arg15[%add3A_255] : memref<16384xf32, #tpu.memory_space<vmem>>[vector<16xi32>], vector<16xf32>,
          %add3A_257 = arith.constant 9.99999997E-7 : f32
          %add3A_258 = vector.broadcast %add3A_257 : f32 to vector<16xf32>
          %add3A_259 = arith.addf %gather3A_250, %add3A_258 : vector<16xf32>
          %add3A_260 = arith.constant 9.99999997E-7 : f32
          %add3A_261 = vector.broadcast %add3A_260 : f32 to vector<16xf32>
          %add3A_262 = arith.addf %gather3A_251, %add3A_261 : vector<16xf32>
          %mul3A_263 = arith.mulf %add3A_259, %add3A_262 : vector<16xf32>
          %mul3A_264 = arith.mulf %mul3A_263, %gather3A_256 : vector<16xf32>
          %gt3A_265 = arith.cmpf ogt, %mul3A_264, %select_n3A_241 : vector<16xf32>
          %select_n3A_266 = arith.select %gt3A_265, %mul3A_264, %select_n3A_241 : vector<16xi1>, vector<16xf32>
          %select_n3A_267 = arith.select %gt3A_265, %and3A_249, %select_n3A_242 : vector<16xi1>, vector<16xi32>
          scf.yield %select_n3A_266, %select_n3A_267 : vector<16xf32>, vector<16xi32>
        }
        %scan3A_60 = arith.constant 256 : i32
        %mul3A_61 = arith.constant 16 : i32
        %mul3A_62 = arith.muli %scan3A_47, %mul3A_61 : i32
        %add3A_63 = arith.addi %mul3A_16, %mul3A_62 : i32
        %get3A = arith.index_cast %add3A_63 : i32 to index
        %get3A_64 = tpu.vector_load %arg10[%get3A] {strides = array<i32>} : memref<6400xi32, #tpu.memory_space<vmem>>, vector<16xi32>,
        %eq3A = arith.constant 501 : i32
        %eq3A_65 = vector.broadcast %eq3A : i32 to vector<16xi32>
        %eq3A_66 = arith.cmpi eq, %get3A_64, %eq3A_65 : vector<16xi32>
        %get3A_67 = arith.index_cast %add3A_63 : i32 to index
        %get3A_68 = tpu.vector_load %arg9[%get3A_67] {strides = array<i32>} : memref<6400xi32, #tpu.memory_space<vmem>>, vector<16xi32>,
        %select_n3A = arith.select %eq3A_66, %get3A_68, %scan3A_59#1 : vector<16xi1>, vector<16xi32>
        %swap3A = arith.index_cast %add3A_63 : i32 to index
        %swap3A_69 = tpu.vector_load %arg16[%swap3A] {strides = array<i32>} : memref<6400xi32, #tpu.memory_space<vmem>>, vector<16xi32>,
        tpu.vector_store %arg16[%swap3A], %select_n3A {strides = array<i32>} : memref<6400xi32, #tpu.memory_space<vmem>>, vector<16xi32>,
      }
      %scan3A_46 = arith.constant 4 : i32
    }
    %scan3A_13 = arith.constant 100 : i32
    "tpu.region"() ({
      %run_scoped3A = tpu.sem_alloc : memref<!tpu.dma_semaphore, #tpu.memory_space<semaphore_mem>>
      %dma_start3A = tpu.memref_slice %arg7[%mul3A_2] : memref<204800xi32, #tpu.memory_space<hbm>> -> memref<6400xi32, #tpu.memory_space<hbm>>
      %dma_start3A_14 = tpu.memref_slice %arg7[%mul3A_2] : memref<204800xi32, #tpu.memory_space<hbm>> -> memref<6400xi32, #tpu.memory_space<hbm>>
      tpu.enqueue_dma source(%arg16 : memref<6400xi32, #tpu.memory_space<vmem>>) target(%dma_start3A_14 : memref<6400xi32, #tpu.memory_space<hbm>>) target_semaphore(%run_scoped3A : memref<!tpu.dma_semaphore, #tpu.memory_space<semaphore_mem>>)
      %dma_wait3A = tpu.memref_slice %arg7[%mul3A_2] : memref<204800xi32, #tpu.memory_space<hbm>> -> memref<6400xi32, #tpu.memory_space<hbm>>
      %dma_wait3A_15 = tpu.memref_slice %arg7[%mul3A_2] : memref<204800xi32, #tpu.memory_space<hbm>> -> memref<6400xi32, #tpu.memory_space<hbm>>
      tpu.wait_dma2 semaphore(%run_scoped3A : memref<!tpu.dma_semaphore, #tpu.memory_space<semaphore_mem>>) src(%arg16 : memref<6400xi32, #tpu.memory_space<vmem>>) dst(%dma_wait3A_15 : memref<6400xi32, #tpu.memory_space<hbm>>)
      tpu.yield
    }) : () -> ()
    return
  }
}

</mosaic_0001>

<sc_bundles>
// kernel: kernel.5.cloned.1.call-start
scs
__scs_entry_jumppad:
0x0: {  	(pc) =	sbr.rel $0x88, $3  }
0x1: {  	(tag) =	ssettag $0x0;
	lr =	simm.s32 $0x1  }
0x2: {  	[smem:$0x3F9D] =	sst lr;
	_ =	strace $0xD0000000  }
0x3: {  	_ = 	snop  }
0x4: {  	_ = 	snop  }
0x5: {  	_ = 	snop  }
0x6: {  	_ = 	snop  }
0x7: {  	_ = 	snop  }
__scs_overlays_trampoline_lowered:
0x8: {  	[smem:$0x3FAC] =	sst s0  }
0x9: {  	[smem:$0x3FAD] =	sst s1  }
0xa: {  	[smem:$0x3FAE] =	sst s2  }
0xb: {  	[smem:$0x3FAF] =	sst s3  }
0xc: {  	[smem:$0x3FB0] =	sst s4  }
0xd: {  	[smem:$0x3FB1] =	sst s5  }
0xe: {  	[smem:$0x3FB2] =	sst s6  }
0xf: {  	[smem:$0x3FB3] =	sst s7  }
0x10: {  	[smem:$0x3FB4] =	sst s8  }
0x11: {  	[smem:$0x3FB5] =	sst s9;
	s0 =	simm.s32 @!p0 $0x0  }
0x12: {  	s1 =	sld [smem:$0x3F9B];
	s0 =	simm.s32 @p0 $0x1  }
0x13: {  	[smem:$0x3FB6] =	sst s0;
	s0 =	simm.s32 @!p1 $0x0  }
0x14: {  	s2 =	sld [smem:$0x3F9A];
	s0 =	simm.s32 @p1 $0x1  }
0x15: {  	[smem:$0x3FB7] =	sst s0;
	s0 =	simm.s32 @!p2 $0x0  }
0x16: {  	s3 =	sld [smem:$0x3FDB];
	s0 =	simm.s32 @p2 $0x1  }
0x17: {  	s4 =	simm.s32 $0x1BF5;
	[smem:$0x3FB9] =	sst s0  }
0x18: {  	s0 =	sld [smem:$0x3F9C];
	_ =	swait.ge [sflag:s4], $0x0  }
0x19: {  	s7 =	sld [smem:$0x3F9D]  }
0x1a: {  	s8 =	sadd.s32 $0xFFFFE003, lr  }
0x1b: {  	s9 =	sadd.s32 $0xFFFFFEF7, lr;
	s5 =	simm.s32 $0xFFFFFFFF;
	p2 =	slt.u32 s8, $0xFFFFF086  }
0x1c: {  	p1 =	slt.u32 s9, $0xF7A;
	s5 =	simm.s32 @!p2 $0x0  }
0x1d: {  	s5 =	simm.s32 @p1 $0x1;
	p0 =	seq.s32 s7, s2  }
0x1e: {  	s7 =	smul.u32 @!p0 $0xF7A, s2;
	p2 =	seq.s32 @!p0 s5, $0x0  }
0x1f: {  	s9 =	smul.u32 $0xF7A, s1;
	s8 =	simm.s32 @!p0 $0x1BF5;
	p2 =	por !p2, p0  }
0x20: {  	[sflag:s8] =	ssyncset.s32 @!p0 $0xFFFFF086;
	s6 =	sadd.s32 @!p0 s3, s7;
	s7 =	simm.s32 @!p0 $0x108  }
0x21: {  	s3 =	sadd.s32 s3, s9;
	s6 =	sadd.s32 @!p0 $0x88, s6;
	s7 =	simm.s32 @p2 $0x1082  }
0x22: {  	[simem:s7], [sflag:s8] =	dma.local @!p0 [hbm:s6], $0xF7A  }
0x23: {  	s9 =	sor.u32 $0xD0000000, s2;
	s6 =	simm.s32 $0x108;
	_ =	swait.ge @!p0 [sflag:s8], $0x0  }
0x24: {  	s3 =	sadd.s32 $0x88, s3;
	s6 =	simm.s32 @!p1 $0x1082;
	[sflag:s4] =	ssyncset.s32 $0xFFFFF086  }
0x25: {  	[simem:s6], [sflag:s4] =	dma.local [hbm:s3], $0xF7A  }
0x26: {  	[smem:$0x3F9D] =	sst s1;
	(tag) =	ssettag s2;
	_ =	strace s9  }
0x27: {  	s1 =	sld [smem:$0x3FAD]  }
0x28: {  	s2 =	sld [smem:$0x3FAE]  }
0x29: {  	s4 =	sld [smem:$0x3FB0]  }
0x2a: {  	p0 =	seq.s32 s5, $0x0;
	s5 =	sld [smem:$0x3FB1]  }
0x2b: {  	s6 =	sld [smem:$0x3FB2]  }
0x2c: {  	s7 =	sld [smem:$0x3FB3]  }
0x2d: {  	s3 =	simm.s32 $0x108;
	s8 =	sld [smem:$0x3FB4]  }
0x2e: {  	s3 =	simm.s32 @!p0 $0x1082;
	s9 =	sld [smem:$0x3FB5]  }
0x2f: {  	lr =	sadd.s32 s0, s3;
	s0 =	sld [smem:$0x3FAC]  }
0x30: {  	s3 =	sld [smem:$0x3FAF]  }
0x31: {  	[smem:$0x3FB8] =	sst s10  }
0x32: {  	s10 =	sld [smem:$0x3FB6];
	_ =	sdelay $0x3  }
0x33: {  	p0 =	seq.s32 s10, $0x1;
	s10 =	sld [smem:$0x3FB8];
	_ =	sdelay $0x3  }
0x34: {  	[smem:$0x3FB8] =	sst s10  }
0x35: {  	s10 =	sld [smem:$0x3FB7];
	_ =	sdelay $0x3  }
0x36: {  	p1 =	seq.s32 s10, $0x1;
	s10 =	sld [smem:$0x3FB8];
	_ =	sdelay $0x3  }
0x37: {  	[smem:$0x3FB8] =	sst s10  }
0x38: {  	s10 =	sld [smem:$0x3FB9]  }
0x39: {  	_ = 	snop;
	(pc) =	sbr.ind lr, $3  }
0x3a: {  	_ = 	snop  }
0x3b: {  	_ = 	snop  }
0x3c: {  	p2 =	seq.s32 s10, $0x1;
	s10 =	sld [smem:$0x3FB8]  }
0x3d: {  	_ =	shalt  }
0x3e: {  	_ =	shalt  }
0x3f: {  	_ =	shalt  }
0x40: {  	_ =	shalt  }
0x41: {  	_ =	shalt  }
0x42: {  	_ =	shalt  }
0x43: {  	_ =	shalt  }
0x44: {  	_ =	shalt  }
0x45: {  	_ =	shalt  }
0x46: {  	_ =	shalt  }
0x47: {  	_ =	shalt  }
0x48: {  	_ =	shalt  }
0x49: {  	_ =	shalt  }
0x4a: {  	_ =	shalt  }
0x4b: {  	_ =	shalt  }
0x4c: {  	_ =	shalt  }
0x4d: {  	_ =	shalt  }
0x4e: {  	_ =	shalt  }
0x4f: {  	_ =	shalt  }
0x50: {  	_ =	shalt  }
0x51: {  	_ =	shalt  }
0x52: {  	_ =	shalt  }
0x53: {  	_ =	shalt  }
0x54: {  	_ =	shalt  }
0x55: {  	_ =	shalt  }
0x56: {  	_ =	shalt  }
0x57: {  	_ =	shalt  }
0x58: {  	_ =	shalt  }
0x59: {  	_ =	shalt  }
0x5a: {  	_ =	shalt  }
0x5b: {  	_ =	shalt  }
0x5c: {  	_ =	shalt  }
0x5d: {  	_ =	shalt  }
0x5e: {  	_ =	shalt  }
0x5f: {  	_ =	shalt  }
0x60: {  	_ =	shalt  }
0x61: {  	_ =	shalt  }
0x62: {  	_ =	shalt  }
0x63: {  	_ =	shalt  }
0x64: {  	_ =	shalt  }
0x65: {  	_ =	shalt  }
0x66: {  	_ =	shalt  }
0x67: {  	_ =	shalt  }
0x68: {  	_ =	shalt  }
0x69: {  	_ =	shalt  }
0x6a: {  	_ =	shalt  }
0x6b: {  	_ =	shalt  }
0x6c: {  	_ =	shalt  }
0x6d: {  	_ =	shalt  }
0x6e: {  	_ =	shalt  }
0x6f: {  	_ =	shalt  }
0x70: {  	_ =	shalt  }
0x71: {  	_ =	shalt  }
0x72: {  	_ =	shalt  }
0x73: {  	_ =	shalt  }
0x74: {  	_ =	shalt  }
0x75: {  	_ =	shalt  }
0x76: {  	_ =	shalt  }
0x77: {  	_ =	shalt  }
0x78: {  	_ =	shalt  }
0x79: {  	_ =	shalt  }
0x7a: {  	_ =	shalt  }
0x7b: {  	_ =	shalt  }
0x7c: {  	_ =	shalt  }
0x7d: {  	_ =	shalt  }
0x7e: {  	_ =	shalt  }
0x7f: {  	_ =	shalt  }
0x80: {  	_ =	shalt  }
0x81: {  	_ =	shalt  }
0x82: {  	_ =	shalt  }
0x83: {  	_ =	shalt  }
0x84: {  	_ =	shalt  }
0x85: {  	_ =	shalt  }
0x86: {  	_ =	shalt  }
0x87: {  	_ =	shalt  }
.Lfunc_end0:
.L_simem_size_0:
called_computation.1_lowered:
.L_overlay_start_0:
0x88: {  	s2 =	sld [smem:$0x3FD9]  }
0x89: {  	s3 =	sld [smem:$0x3FFE];
	_ =	sdelay $0x1  }
0x8a: {  	s1 =	srdreg.scid  }
0x8b: {  	s0 =	sand.u32 $0x1, s1  }
0x8c: {  	s17 =	sshll.u32 s0, $0xA;
	s2 =	sadd.s32 s3, s2  }
0x8d: {  	s2 =	sadd.s32 s2, s17  }
0x8e: {  	[smem:$0x3FC4] =	sst s2  }
0x8f: {  	_ = 	snop  }
0x90: {  	s2 =	sld [smem:$0x3FD0];
	(tm) =	ssettm $0x1  }
0x91: {  	s18 =	sld [smem:$0x3FFB];
	_ =	sdelay $0x3  }
0x92: {  	_ =	strace s18  }
0x93: {  	s3 =	sld [smem:$0x3FFC];
	_ =	sdelay $0x3  }
0x94: {  	_ =	strace s3  }
0x95: {  	s3 =	sld [smem:$0x3FFD];
	_ =	sdelay $0x3  }
0x96: {  	_ =	strace s3  }
0x97: {  	_ =	strace $0x8FFFFFFF  }
0x98: {  	s19 =	sld [smem:$0x3FDB];
	_ =	sdelay $0x1  }
0x99: {  	s4 =	simm.s32 $_scs_section_size  }
0x9a: {  	s5 =	simm.s32 $_size__tile_overlayer_lowered;
	s6 =	simm.s32 $_tile_overlayer_lowered  }
0x9b: {  	s22 =	simm.s32 $0x1BFF;
	s21 =	sshll.u32 s6, $0x1;
	s3 =	sadd.s32 s4, s19  }
0x9c: {  	s7 =	simm.s32 $0x0;
	s20 =	sshll.u32 s5, $0x1;
	s5 =	sadd.s32 s21, s3  }
0x9d: {  	[timem:s7], [sflag:s22] =	dma.local [hbm:s5], s20  }
0x9e: {  	_ =	swait.ge [sflag:s22], s20  }
0x9f: {  	s4 =	ssub.s32 $0x0, s20;
	[sflag:s22] =	ssyncset.done $0x0  }
0xa0: {  	[sflag:s22] =	ssyncadd.s32 s4;
	_ =	sdelay $0x1  }
0xa1: {  	s23 =	simm.s32 $0x1B8B  }
0xa2: {  	_ =	swait.ge [sflag:s23], $0x1  }
0xa3: {  	[sflag:s23] =	ssyncset.done $0x0  }
0xa4: {  	s25 =	simm.s32 $0x1B8E;
	s24 =	sld [smem:$0x3FFE];
	[sflag:s23] =	ssyncadd.s32 $0xFFFFFFFF  }
0xa5: {  	s26 =	simm.s32 $execute0_lowered;
	[smem:$0x3FD2] =	sst s25  }
0xa6: {  	s5 =	sshll.u32 s26, $0x1;
	_ =	strace $0x80000049;
	[dreg:$0x1] =	wrdreg $0xFFFFFFFF  }
0xa7: {  	s28 =	simm.s32 $_size_execute0_lowered;
	s3 =	sadd.s32 s3, s5;
	[dreg:$0x0] =	wrdreg $0x0  }
0xa8: {  	s5 =	sshll.u32 s28, $0x1;
	[dreg:$0x2] =	wrdreg s3  }
0xa9: {  	[dreg:$0x3] =	wrdreg s5  }
0xaa: {  	[dreg:$0x4] =	wrdreg $0xC0  }
0xab: {  	_ =	task [dreg:s7], $0x5FFFF  }
0xac: {  	[dreg:$0x1] =	wrdreg $0xFFFFFFFF  }
0xad: {  	[dreg:$0x0] =	wrdreg $0x60  }
0xae: {  	[dreg:$0x2] =	wrdreg s24  }
0xaf: {  	[dreg:$0x3] =	wrdreg s2  }
0xb0: {  	[dreg:$0x4] =	wrdreg $0x9  }
0xb1: {  	_ =	task.clear_ibuf [dreg:s7], $0x5FFFF;
	_ =	strace $0x90000049  }
0xb2: {  	s29 =	simm.s32 $0x9;
	_ =	strace $0x8000004B  }
0xb3: {  	_ =	swait.ge [sflag:s29], $0x1  }
0xb4: {  	[sflag:s29] =	ssyncadd.s32 $0xFFFFFFFF  }
0xb5: {  	_ =	strace $0x9000004B  }
0xb6: {  	_ =	sfence  }
0xb7: {  	s30 =	sld [smem:$0x0];
	_ =	sdelay $0x2  }
0xb8: {  	s31 =	sshll.u32 s1, $0xD;
	s1 =	sshrl.u32 s1, $0x2  }
0xb9: {  	s3 =	sand.u32 $0x4000, s31;
	s1 =	sadd.s32 s1, s30  }
0xba: {  	s0 =	sor.u32 s3, s0;
	s1 =	sshll.u32 s1, $0x11  }
0xbb: {  	s0 =	sor.u32 s1, s0  }
0xbc: {  	s0 =	sadd.s32 $0x8F2B, s0  }
0xbd: {  	[sflag:s0] =	ssyncadd.remote.s32 $0x1  }
0xbe: {  	_ =	sfence.sel $0xFFFF  }
0xbf: {  	[dreg:$0x0] =	wrdreg $0xFFFFFFFF;
	(pc) =	sbr.abs _section_cstart, $3  }
0xc0: {  	[dreg:$0x1] =	wrdreg $0xFFFFFFFF  }
0xc1: {  	_ =	task.clear_ibuf [dreg:s7], $0x2FFFF;
	_ =	strace $0x9FFFFFFF  }
0xc2: {  	(tm) =	ssettm $0x7FFFFFFF  }
0xc3: {  	_ =	shalt  }
tec
execute0_lowered:
.L_overlay_start_1:
0x0: {  	(tag) =	ssettag $0x1  }
0x1: {  	s6 =	rddreg [dreg:$0x0]  }
0x2: {  	s1 =	srdreg.scid;
	s0 =	stileid.u32  }
0x3: {  	s7 =	rddreg [dreg:$0x1];
	s2 =	simm.s32 $0x0;
	s14 =	simm.s32 $0x40  }
0x4: {  	s15 =	simm.s32 $0x7D00;
	s16 =	simm.s32 $0xBD00;
	s17 =	simm.s32 $0xFD00  }
0x5: {  	s18 =	simm.s32 $0x1;
	s5 =	sand.u32 $0x1, s1;
	s3 =	sshll.u32 s0, $0x1  }
0x6: {  	s19 =	simm.s32 $0x2;
	s20 =	simm.s32 $0x3;
	s3 =	sor.u32 s5, s3  }
0x7: {  	s21 =	simm.s32 $0x13D00;
	s22 =	simm.s32 $0x0;
	s3 =	smul.u32 $0x1900, s3  }
0x8: {  	[smem:$0x7FF] =	sst s2;
	s4 =	sadd.s32 $0xE00, s6;
	s9 =	ssub.s32 $0x2, s5  }
0x9: {  	_ =	strace $0x8000004A;
	s31 =	sshrl.u32 s9, $0x1;
	s8 =	sshrl.u32 s3, $0x3  }
0xa: {  	s5 =	sadd.s32 $0x3ECE00, s6;
	s11 =	ssub.s32 s9, s31;
	s10 =	sadd.s32 s8, s6  }
0xb: {  	v2 =	vlaneseq.u32;
	s6 =	sadd.s32 s7, s8;
	s7 =	sadd.s32 $0xA2CE00, s10;
	s8 =	sadd.s32 $0xA33200, s10  }
0xc: {  	v0 =	vmul.u32 $0x100, v2;
	v1 =	vand.u32 $0x7, v2;
	v2 =	vmul.u32 $0x11, v2;
	s9 =	sadd.s32 $0xA39600, s10;
	s10 =	smax.u32 s11, $0x1;
	s11 =	simm.s32 $0x4  }
.LBB2_1:
0xd: {  	[tilespmem:s2], [sflag:$0x4] =	stream.linear.gather [hbm4b:s6+s2], $0x1900, $0x38;
	[tilespmem:$0x15600] =	vst v63  }
0xe: {  	_ =	swait.ge [sflag:s11], $0x1900  }
0xf: {  	[sflag:s11] =	ssyncset.done $0x0  }
0x10: {  	s0 =	simm.s32 $0x1900;
	[sflag:s11] =	ssyncadd.s32 $0xFFFFE700  }
0x11: {  	[tilespmem:s0], [sflag:$0x4] =	stream.linear.gather [hbm4b:s7+s2], $0x1900, $0x38;
	[tilespmem:$0x15600] =	vst v63  }
0x12: {  	_ =	swait.ge [sflag:s11], $0x1900  }
0x13: {  	[sflag:s11] =	ssyncset.done $0x0  }
0x14: {  	s31 =	simm.s32 $0x3200;
	[sflag:s11] =	ssyncadd.s32 $0xFFFFE700  }
0x15: {  	[tilespmem:s31], [sflag:$0x4] =	stream.linear.gather [hbm4b:s8+s2], $0x1900, $0x38;
	[tilespmem:$0x15600] =	vst v63  }
0x16: {  	_ =	swait.ge [sflag:s11], $0x1900  }
0x17: {  	[sflag:s11] =	ssyncset.done $0x0  }
0x18: {  	s24 =	simm.s32 $0x0;
	[sflag:s11] =	ssyncadd.s32 $0xFFFFE700  }
0x19: {  	v3 =	vld [tilespmem:s24+$0x3200]  }
0x1a: {  	v4 =	vld [tilespmem:s24+$0x1900]  }
0x1b: {  	v5 =	vld [tilespmem:s24+$0x0]  }
0x1c: {  	s23 =	simm.s32 $0x40  }
.LBB2_2:
0x1d: {  	p0 =	sne.s32 s23, $0x63C0  }
.Ltmp0:
0x1e: {  	s25 =	sshra.s32 s23, $0x2;
	s23 =	sadd.s32 $0x40, s23;
	v6 =	vshll.u32 v3, $0x8;
	(pc) =	sbr.rel @p0 .LBB2_2-.Ltmp0, $4  }
0x1f: {  	v3 =	vld [tilespmem:s25+$0x3200];
	v7 =	vsub.s32 v4, v6  }
0x20: {  	v4 =	vld [tilespmem:s25+$0x1900];
	v6 =	vadd.s32 v5, v6;
	v7 =	vadd.s32 $0x1F500, v7  }
0x21: {  	v5 =	vld [tilespmem:s25+$0x0];
	[tilespmem:s24+$0x6400] =	vst v7  }
0x22: {  	[tilespmem:s24+$0x4B00] =	vst v6;
	s24 =	smov.u32 s25  }
0x23: {  	_ = 	snop  }
0x24: {  	v3 =	vshll.u32 v3, $0x8  }
0x25: {  	v4 =	vsub.s32 v4, v3  }
0x26: {  	v4 =	vadd.s32 $0x1F500, v4  }
0x27: {  	v3 =	vadd.s32 v5, v3;
	[tilespmem:s24+$0x6400] =	vst v4  }
0x28: {  	s23 =	simm.s32 $0x0;
	[tilespmem:s24+$0x4B00] =	vst v3;
	s24 =	simm.s32 $0x0  }
.LBB2_4:
0x29: {  	s25 =	sshll.u32 s24, $0x6  }
0x2a: {  	s26 =	sadd.s32 $0x4B00, s25;
	s31 =	sadd.s32 s3, s25  }
0x2b: {  	[tilespmem:s15], [sflag:$0x1] =	stream.indirect.gather [hbm4b:s4+s14], $0x100, s26, s14, $0xb8;
	[tilespmem:$0x15600] =	vst v63  }
0x2c: {  	s30 =	sadd.s32 $0x6400, s25;
	s26 =	sshll.u32 s31, $0x5  }
0x2d: {  	[tilespmem:s16], [sflag:$0x2] =	stream.indirect.gather [hbm4b:s4+s14], $0x100, s30, s14, $0xb8;
	[tilespmem:$0x15600] =	vst v63  }
0x2e: {  	s26 =	sadd.s32 s5, s26  }
0x2f: {  	[tilespmem:s17], [sflag:$0x3] =	stream.linear.gather [hbm4b:s26+s23], $0x4000, $0x38;
	[tilespmem:$0x15600] =	vst v63  }
0x30: {  	_ =	swait.ge [sflag:s18], $0x4000  }
0x31: {  	[sflag:s18] =	ssyncset.done $0x0  }
0x32: {  	[sflag:s18] =	ssyncadd.s32 $0xFFFFC000  }
0x33: {  	_ =	swait.ge [sflag:s19], $0x4000  }
0x34: {  	[sflag:s19] =	ssyncset.done $0x0  }
0x35: {  	[sflag:s19] =	ssyncadd.s32 $0xFFFFC000  }
0x36: {  	_ =	swait.ge [sflag:s20], $0x4000  }
0x37: {  	[sflag:s20] =	ssyncset.done $0x0  }
0x38: {  	s26 =	simm.s32 $0x0;
	[sflag:s20] =	ssyncadd.s32 $0xFFFFC000  }
.LBB2_5:
0x39: {  	s28 =	sshll.u32 s26, $0x4  }
0x3a: {  	s30 =	simm.s32 $0x6;
	v3 =	vmov s28  }
0x3b: {  	s0 =	simm.s32 $0x4;
	v6 =	vadd.s32 s30, v2;
	v3 =	vshll.u32 v3, $0x8  }
0x3c: {  	s1 =	simm.s32 $0x1;
	v9 =	vadd.s32 s0, v2;
	v6 =	vand.u32 $0xFF, v6;
	v8 =	vor.u32 v0, v3  }
0x3d: {  	s29 =	simm.s32 $0x0;
	v16 =	vand.u32 $0xFF, v9;
	v9 =	vadd.s32 s1, v2;
	v24 =	vor.u32 v8, v6  }
0x3e: {  	v4 =	vadd.s32 s29, v2;
	v27 =	vand.u32 $0xFF, v9;
	v26 =	vor.u32 v8, v16  }
0x3f: {  	v3 =	vand.u32 $0xF8, v4;
	v10 =	vor.u32 v1, v8;
	v30 =	vor.u32 v8, v27  }
0x40: {  	v5 =	vor.u32 v3, v10;
	_ =	sdelay $0x1  }
0x41: {  	v32 =	vld.idx.msk [tilespmem:v24+s15+$0x0], $0xffff  }
0x42: {  	s29 =	simm.s32 $0x7;
	v38 =	vld.idx.msk [tilespmem:v26+s15+$0x0], $0xffff  }
0x43: {  	v3 =	vadd.s32 s29, v2;
	s29 =	simm.s32 $0x5;
	v40 =	vld.idx.msk [tilespmem:v30+s15+$0x0], $0xffff  }
0x44: {  	v7 =	vadd.s32 s29, v2;
	s29 =	simm.s32 $0x3;
	v18 =	vld.idx.msk [tilespmem:v5+s17+$0x0], $0xffff  }
0x45: {  	v3 =	vand.u32 $0xFF, v3;
	v13 =	vand.u32 $0xFF, v7;
	v7 =	vadd.s32 s29, v2;
	s29 =	simm.s32 $0x2;
	v14 =	vld.idx.msk [tilespmem:v5+s15+$0x0], $0xffff  }
0x46: {  	v19 =	vor.u32 v8, v3;
	v28 =	vand.u32 $0xFF, v7;
	v17 =	vld.idx.msk [tilespmem:v5+s16+$0x0], $0xffff;
	v5 =	vadd.s32 s29, v2  }
0x47: {  	v33 =	vimm.f32 $-1.000000000e+00;
	s31 =	simm.s32 $0xD;
	v29 =	vor.u32 v8, v28;
	v41 =	vld.idx.msk [tilespmem:v30+s16+$0x0], $0xffff;
	v31 =	vand.u32 $0xFF, v5  }
0x48: {  	v34 =	vimm.s32 $0x0;
	s12 =	simm.s32 $0xF;
	s13 =	simm.s32 $0x9;
	v11 =	vadd.s32 s31, v2;
	v30 =	vld.idx.msk [tilespmem:v30+s17+$0x0], $0xffff;
	v35 =	vor.u32 v8, v31  }
0x49: {  	s0 =	simm.s32 $0xA;
	v23 =	vadd.s32 s13, v2;
	v37 =	vand.u32 $0xFF, v4;
	v4 =	vadd.s32 s12, v2;
	s12 =	simm.s32 $0xB;
	v46 =	vld.idx.msk [tilespmem:v26+s16+$0x0], $0xffff  }
0x4a: {  	s1 =	simm.s32 $0xE;
	v20 =	vadd.s32 s0, v2;
	v11 =	vand.u32 $0xFF, v11;
	v15 =	vadd.s32 s12, v2;
	v54 =	vld.idx.msk [tilespmem:v24+s16+$0x0], $0xffff;
	s29 =	simm.s32 $0x8  }
0x4b: {  	v25 =	vor.u32 v8, v13;
	v12 =	vadd.s32 s29, v2;
	s29 =	simm.s32 $0xC;
	v5 =	vadd.s32 s1, v2;
	v21 =	vld.idx.msk [tilespmem:v19+s15+$0x0], $0xffff  }
0x4c: {  	v9 =	vadd.s32 s29, v2;
	v22 =	vand.u32 $0xF8, v12;
	v7 =	vand.u32 $0xFF, v5;
	v39 =	vld.idx.msk [tilespmem:v29+s15+$0x0], $0xffff  }
0x4d: {  	v5 =	vand.u32 $0xFF, v4;
	v4 =	vand.u32 $0xFF, v15;
	v15 =	vand.u32 $0xFF, v9;
	v42 =	vld.idx.msk [tilespmem:v35+s15+$0x0], $0xffff  }
0x4e: {  	v22 =	vor.u32 v22, v10;
	v32 =	vadd.f32 $9.999999970e-07, v32;
	v40 =	vadd.f32 $9.999999970e-07, v40;
	v43 =	vld.idx.msk [tilespmem:v35+s16+$0x0], $0xffff  }
0x4f: {  	v9 =	vand.u32 $0xFF, v23;
	v45 =	vld.idx.msk [tilespmem:v29+s16+$0x0], $0xffff;
	v44 =	vadd.f32 $9.999999970e-07, v14;
	v17 =	vadd.f32 $9.999999970e-07, v17  }
0x50: {  	v36 =	vld.idx.msk [tilespmem:v25+s15+$0x0], $0xffff;
	v23 =	vor.u32 v8, v5;
	v41 =	vadd.f32 $9.999999970e-07, v41;
	v38 =	vadd.f32 $9.999999970e-07, v38  }
0x51: {  	v47 =	vld.idx.msk [tilespmem:v25+s16+$0x0], $0xffff;
	v58 =	vadd.f32 $9.999999970e-07, v46;
	v63 =	vadd.f32 $9.999999970e-07, v54;
	v44 =	vmul.f32 v17, v44  }
0x52: {  	v14 =	vor.u32 v8, v7;
	v40 =	vmul.f32 v41, v40;
	v21 =	vadd.f32 $9.999999970e-07, v21;
	v35 =	vld.idx.msk [tilespmem:v35+s17+$0x0], $0xffff  }
0x53: {  	v29 =	vld.idx.msk [tilespmem:v29+s17+$0x0], $0xffff;
	v44 =	vmul.f32 v44, v18;
	v42 =	vadd.f32 $9.999999970e-07, v42;
	v52 =	vadd.f32 $9.999999970e-07, v43  }
0x54: {  	v32 =	vmul.f32 v63, v32;
	v39 =	vadd.f32 $9.999999970e-07, v39;
	v53 =	vadd.f32 $9.999999970e-07, v45  }
0x55: {  	v30 =	vmul.f32 v40, v30;
	vm0 =	vgt.f32 v44, v33;
	v55 =	vmul.f32 v52, v42  }
0x56: {  	v56 =	vld.idx.msk [tilespmem:v26+s17+$0x0], $0xffff;
	v36 =	vadd.f32 $9.999999970e-07, v36;
	v39 =	vmul.f32 v53, v39;
	v26 =	vsel vm0, v44, v33  }
0x57: {  	v60 =	vld.idx.msk [tilespmem:v25+s17+$0x0], $0xffff;
	v57 =	vsel vm0, v37, v34;
	vm0 =	vgt.f32 v30, v26;
	v35 =	vmul.f32 v55, v35  }
0x58: {  	v59 =	vld.idx.msk [tilespmem:v19+s16+$0x0], $0xffff;
	v29 =	vmul.f32 v39, v29;
	v25 =	vsel vm0, v30, v26;
	v30 =	vadd.f32 $9.999999970e-07, v47  }
0x59: {  	v26 =	vsel vm0, v27, v57;
	v27 =	vmul.f32 v58, v38;
	vm0 =	vgt.f32 v35, v25  }
0x5a: {  	v30 =	vmul.f32 v30, v36;
	v61 =	vsel vm0, v35, v25;
	v62 =	vsel vm0, v31, v26;
	v26 =	vld.idx.msk [tilespmem:v24+s17+$0x0], $0xffff  }
0x5b: {  	v17 =	vor.u32 v8, v11;
	v27 =	vmul.f32 v27, v56;
	vm0 =	vgt.f32 v29, v61  }
0x5c: {  	v18 =	vor.u32 v8, v15;
	v30 =	vmul.f32 v30, v60;
	v25 =	vld.idx.msk [tilespmem:v19+s17+$0x0], $0xffff;
	v31 =	vsel vm0, v29, v61  }
0x5d: {  	s29 =	simm.s32 $0x10;
	v24 =	vld.idx.msk [tilespmem:v22+s17+$0x0], $0xffff;
	v19 =	vmovc v23;
	v28 =	vsel vm0, v28, v62;
	v29 =	vadd.f32 $9.999999970e-07, v59;
	vm0 =	vgt.f32 v27, v31  }
.LBB2_6:
0x5e: {  	p0 =	slt.u32 s29, $0xF8;
	v33 =	vld.idx.msk [tilespmem:v22+s15+$0x0], $0xffff;
	v34 =	vor.u32 v8, v4;
	v27 =	vsel vm0, v27, v31;
	v16 =	vsel vm0, v16, v28  }
0x5f: {  	v21 =	vmul.f32 v29, v21;
	v28 =	vld.idx.msk [tilespmem:v22+s16+$0x0], $0xffff;
	vm0 =	vgt.f32 v30, v27;
	v22 =	vmul.f32 v32, v26  }
0x60: {  	v26 =	vor.u32 v8, v9;
	v29 =	vld.idx.msk [tilespmem:v23+s15+$0x0], $0xffff;
	v23 =	vsel vm0, v30, v27;
	v13 =	vsel vm0, v13, v16  }
0x61: {  	v27 =	vand.u32 $0xFF, v20;
	v20 =	vmul.f32 v21, v25;
	v30 =	vld.idx.msk [tilespmem:v14+s15+$0x0], $0xffff;
	vm0 =	vgt.f32 v22, v23;
	v16 =	vmovc v15  }
0x62: {  	v25 =	vor.u32 v8, v27;
	v31 =	vld.idx.msk [tilespmem:v17+s15+$0x0], $0xffff;
	v15 =	vsel vm0, v22, v23;
	v21 =	vsel vm0, v6, v13  }
0x63: {  	s0 =	sadd.s32 $0x7, s29;
	v32 =	vand.u32 $0xFF, v12;
	v12 =	vadd.s32 s29, v2;
	v6 =	vmovc v7;
	v35 =	vld.idx.msk [tilespmem:v18+s15+$0x0], $0xffff;
	vm0 =	vgt.f32 v20, v15;
	v13 =	vmovc v11  }
0x64: {  	s1 =	sadd.s32 $0x4, s29;
	s12 =	sadd.s32 $0x5, s29;
	s30 =	sadd.s32 $0x6, s29;
	v11 =	vadd.s32 s0, v2;
	v36 =	vld.idx.msk [tilespmem:v34+s15+$0x0], $0xffff;
	v37 =	vsel vm0, v20, v15;
	v38 =	vsel vm0, v3, v21;
	v3 =	vmovc v5  }
0x65: {  	s31 =	sadd.s32 $0x2, s29;
	s13 =	sadd.s32 $0x3, s29;
	s0 =	sadd.s32 $0x1, s29;
	v15 =	vadd.s32 s1, v2;
	v21 =	vadd.s32 s12, v2;
	v5 =	vadd.s32 s30, v2;
	v39 =	vld.idx.msk [tilespmem:v26+s15+$0x0], $0xffff  }
0x66: {  	v22 =	vadd.s32 s13, v2;
	v23 =	vadd.s32 s0, v2;
	v20 =	vadd.s32 s31, v2;
	v40 =	vld.idx.msk [tilespmem:v26+s16+$0x0], $0xffff  }
0x67: {  	v41 =	vand.u32 $0xF8, v12;
	v7 =	vand.u32 $0xFF, v5;
	v5 =	vand.u32 $0xFF, v11;
	v42 =	vld.idx.msk [tilespmem:v25+s15+$0x0], $0xffff  }
0x68: {  	v43 =	vand.u32 $0xFF, v22;
	v15 =	vand.u32 $0xFF, v15;
	v11 =	vand.u32 $0xFF, v21;
	v44 =	vld.idx.msk [tilespmem:v25+s16+$0x0], $0xffff  }
0x69: {  	v22 =	vor.u32 v41, v10;
	v33 =	vadd.f32 $9.999999970e-07, v33;
	v41 =	vand.u32 $0xFF, v23;
	v45 =	vld.idx.msk [tilespmem:v34+s16+$0x0], $0xffff  }
0x6a: {  	v28 =	vadd.f32 $9.999999970e-07, v28;
	v21 =	vadd.f32 $9.999999970e-07, v29;
	v23 =	vor.u32 v8, v5;
	v26 =	vld.idx.msk [tilespmem:v26+s17+$0x0], $0xffff  }
0x6b: {  	v29 =	vor.u32 v8, v7;
	v47 =	vadd.f32 $9.999999970e-07, v30;
	v31 =	vadd.f32 $9.999999970e-07, v31;
	v46 =	vld.idx.msk [tilespmem:v18+s16+$0x0], $0xffff  }
0x6c: {  	v28 =	vmul.f32 v28, v33;
	v30 =	vadd.f32 $9.999999970e-07, v39;
	v33 =	vadd.f32 $9.999999970e-07, v40;
	v25 =	vld.idx.msk [tilespmem:v25+s17+$0x0], $0xffff  }
0x6d: {  	v35 =	vadd.f32 $9.999999970e-07, v35;
	v39 =	vor.u32 v8, v11;
	v40 =	vadd.f32 $9.999999970e-07, v42;
	v42 =	vld.idx.msk [tilespmem:v17+s16+$0x0], $0xffff  }
0x6e: {  	v24 =	vmul.f32 v28, v24;
	v28 =	vmul.f32 v33, v30;
	v30 =	vadd.f32 $9.999999970e-07, v44;
	v33 =	vld.idx.msk [tilespmem:v34+s17+$0x0], $0xffff  }
0x6f: {  	v36 =	vadd.f32 $9.999999970e-07, v36;
	v34 =	vor.u32 v8, v15;
	v44 =	vadd.f32 $9.999999970e-07, v45;
	v45 =	vld.idx.msk [tilespmem:v14+s16+$0x0], $0xffff  }
0x70: {  	vm0 =	vgt.f32 v24, v37;
	v26 =	vmul.f32 v28, v26;
	v28 =	vmul.f32 v30, v40;
	v30 =	vld.idx.msk [tilespmem:v18+s17+$0x0], $0xffff  }
0x71: {  	v24 =	vsel vm0, v24, v37;
	v32 =	vsel vm0, v32, v38;
	v37 =	vadd.f32 $9.999999970e-07, v46;
	v18 =	vmovc v34;
	v38 =	vld.idx.msk [tilespmem:v19+s16+$0x0], $0xffff  }
0x72: {  	vm0 =	vgt.f32 v26, v24;
	v25 =	vmul.f32 v28, v25;
	v28 =	vmul.f32 v44, v36;
	v34 =	vld.idx.msk [tilespmem:v17+s17+$0x0], $0xffff  }
0x73: {  	v24 =	vsel vm0, v26, v24;
	v32 =	vsel vm0, v9, v32;
	v36 =	vadd.f32 $9.999999970e-07, v42;
	v9 =	vmovc v41;
	v17 =	vmovc v39  }
.Ltmp1:
0x74: {  	vm0 =	vgt.f32 v25, v24;
	v28 =	vmul.f32 v28, v33;
	v33 =	vmul.f32 v37, v35;
	v26 =	vld.idx.msk [tilespmem:v14+s17+$0x0], $0xffff;
	(pc) =	sbr.rel @p0 .LBB2_6-.Ltmp1, $4  }
0x75: {  	v24 =	vsel vm0, v25, v24;
	v32 =	vsel vm0, v27, v32;
	v35 =	vadd.f32 $9.999999970e-07, v45;
	v14 =	vmovc v29  }
0x76: {  	vm0 =	vgt.f32 v28, v24;
	v27 =	vmul.f32 v33, v30;
	v30 =	vmul.f32 v36, v31;
	v25 =	vld.idx.msk [tilespmem:v19+s17+$0x0], $0xffff  }
0x77: {  	v31 =	vsel vm0, v28, v24;
	v28 =	vsel vm0, v4, v32;
	v29 =	vadd.f32 $9.999999970e-07, v38;
	v4 =	vmovc v43;
	v19 =	vmovc v23  }
0x78: {  	s29 =	sadd.s32 $0x8, s29;
	v32 =	vmul.f32 v35, v47;
	vm0 =	vgt.f32 v27, v31;
	v30 =	vmul.f32 v30, v34;
	v24 =	vld.idx.msk [tilespmem:v22+s17+$0x0], $0xffff  }
0x79: {  	_ =	sdelay $0x3  }
0x7a: {  	v10 =	vld.idx.msk [tilespmem:v22+s15+$0x0], $0xffff  }
0x7b: {  	v54 =	vld.idx.msk [tilespmem:v22+s16+$0x0], $0xffff  }
0x7c: {  	v33 =	vor.u32 v8, v4;
	v23 =	vld.idx.msk [tilespmem:v23+s15+$0x0], $0xffff  }
0x7d: {  	v34 =	vor.u32 v8, v9;
	v35 =	vld.idx.msk [tilespmem:v14+s15+$0x0], $0xffff  }
0x7e: {  	v20 =	vand.u32 $0xFF, v20;
	v36 =	vld.idx.msk [tilespmem:v17+s15+$0x0], $0xffff  }
0x7f: {  	v37 =	vld.idx.msk [tilespmem:v18+s15+$0x0], $0xffff;
	v55 =	vor.u32 v8, v20  }
0x80: {  	v39 =	vld.idx.msk [tilespmem:v18+s16+$0x0], $0xffff  }
0x81: {  	v56 =	vld.idx.msk [tilespmem:v33+s15+$0x0], $0xffff  }
0x82: {  	v27 =	vsel vm0, v27, v31;
	v57 =	vld.idx.msk [tilespmem:v34+s15+$0x0], $0xffff  }
0x83: {  	v21 =	vmul.f32 v29, v21;
	v26 =	vmul.f32 v32, v26;
	vm1 =	vgt.f32 v30, v27;
	v58 =	vld.idx.msk [tilespmem:v34+s16+$0x0], $0xffff  }
0x84: {  	v16 =	vsel vm0, v16, v28;
	v12 =	vand.u32 $0xFF, v12;
	v27 =	vsel vm1, v30, v27;
	v59 =	vld.idx.msk [tilespmem:v55+s15+$0x0], $0xffff  }
0x85: {  	vm6 =	vgt.f32 v26, v27;
	v10 =	vadd.f32 $9.999999970e-07, v10;
	v22 =	vadd.f32 $9.999999970e-07, v54;
	v61 =	vld.idx.msk [tilespmem:v55+s16+$0x0], $0xffff  }
0x86: {  	v21 =	vmul.f32 v21, v25;
	v13 =	vsel vm1, v13, v16;
	v60 =	vsel vm6, v26, v27;
	v62 =	vld.idx.msk [tilespmem:v33+s16+$0x0], $0xffff  }
0x87: {  	v6 =	vsel vm6, v6, v13;
	v34 =	vld.idx.msk [tilespmem:v34+s17+$0x0], $0xffff;
	v38 =	vadd.f32 $9.999999970e-07, v23;
	v10 =	vmul.f32 v22, v10  }
0x88: {  	v43 =	vld.idx.msk [tilespmem:v17+s16+$0x0], $0xffff;
	vm7 =	vgt.f32 v21, v60;
	v40 =	vadd.f32 $9.999999970e-07, v57;
	v41 =	vadd.f32 $9.999999970e-07, v58  }
0x89: {  	v42 =	vadd.f32 $9.999999970e-07, v36;
	v48 =	vadd.f32 $9.999999970e-07, v37;
	v8 =	vld.idx.msk [tilespmem:v55+s17+$0x0], $0xffff;
	v10 =	vmul.f32 v10, v24  }
0x8a: {  	v46 =	vld.idx.msk [tilespmem:v14+s16+$0x0], $0xffff;
	v25 =	vadd.f32 $9.999999970e-07, v59;
	v26 =	vadd.f32 $9.999999970e-07, v61;
	v23 =	vmul.f32 v41, v40  }
0x8b: {  	v44 =	vld.idx.msk [tilespmem:v33+s17+$0x0], $0xffff;
	v63 =	vsel vm7, v21, v60;
	v45 =	vadd.f32 $9.999999970e-07, v56;
	v27 =	vadd.f32 $9.999999970e-07, v62  }
0x8c: {  	v51 =	vld.idx.msk [tilespmem:v19+s16+$0x0], $0xffff;
	vm8 =	vgt.f32 v10, v63;
	v47 =	vmul.f32 v26, v25;
	v16 =	vmul.f32 v23, v34  }
0x8d: {  	v49 =	vld.idx.msk [tilespmem:v18+s17+$0x0], $0xffff;
	v50 =	vadd.f32 $9.999999970e-07, v39;
	v53 =	vadd.f32 $9.999999970e-07, v35;
	v10 =	vsel vm8, v10, v63  }
0x8e: {  	v54 =	vld.idx.msk [tilespmem:v17+s17+$0x0], $0xffff;
	v52 =	vmul.f32 v27, v45;
	v8 =	vmul.f32 v47, v8;
	vm9 =	vgt.f32 v16, v10  }
0x8f: {  	v3 =	vsel vm7, v3, v6;
	v55 =	vadd.f32 $9.999999970e-07, v43;
	v10 =	vsel vm9, v16, v10  }
0x90: {  	v13 =	vmul.f32 v50, v48;
	v6 =	vmul.f32 v52, v44;
	vm2 =	vgt.f32 v8, v10  }
0x91: {  	v60 =	vadd.f32 $9.999999970e-07, v51;
	v56 =	vld.idx.msk [tilespmem:v14+s17+$0x0], $0xffff;
	v58 =	vmul.f32 v55, v42;
	v8 =	vsel vm2, v8, v10  }
0x92: {  	v13 =	vmul.f32 v13, v49;
	v57 =	vadd.f32 $9.999999970e-07, v46;
	vm10 =	vgt.f32 v6, v8  }
0x93: {  	v59 =	vld.idx.msk [tilespmem:v19+s17+$0x0], $0xffff;
	v3 =	vsel vm8, v12, v3;
	v14 =	vmul.f32 v58, v54;
	v6 =	vsel vm10, v6, v8  }
0x94: {  	v3 =	vsel vm9, v9, v3;
	v10 =	vmul.f32 v57, v53;
	vm11 =	vgt.f32 v13, v6  }
0x95: {  	s0 =	sor.u32 s25, s28;
	v3 =	vsel vm2, v20, v3;
	v6 =	vsel vm11, v13, v6  }
0x96: {  	v61 =	vld [tilespmem:s0+$0x3200];
	v10 =	vmul.f32 v10, v56;
	v8 =	vmul.f32 v60, v38;
	vm12 =	vgt.f32 v14, v6  }
0x97: {  	s26 =	sadd.s32 $0x1, s26;
	v63 =	vld [tilespmem:s0+$0x1900];
	v3 =	vsel vm10, v4, v3;
	v62 =	vsel vm12, v14, v6  }
0x98: {  	p0 =	sne.s32 s26, $0x4;
	v3 =	vsel vm11, v15, v3;
	v8 =	vmul.f32 v8, v59;
	vm13 =	vgt.f32 v10, v62  }
.Ltmp2:
0x99: {  	v3 =	vsel vm12, v11, v3;
	v4 =	vsel vm13, v10, v62;
	(pc) =	sbr.rel @p0 .LBB2_5-.Ltmp2, $4  }
0x9a: {  	v3 =	vsel vm13, v7, v3;
	vm14 =	vgt.f32 v8, v4  }
0x9b: {  	vm15 =	veq.s32 v61, $0x1F5;
	v3 =	vsel vm14, v5, v3  }
0x9c: {  	v3 =	vsel vm15, v63, v3  }
0x9d: {  	[tilespmem:s0+$0x13D00] =	vst v3  }
0x9e: {  	s24 =	sadd.s32 $0x1, s24  }
0x9f: {  	p0 =	sne.s32 s24, $0x64  }
.Ltmp3:
0xa0: {  	_ = 	snop;
	(pc) =	sbr.rel @p0 .LBB2_4-.Ltmp3, $1  }
0xa1: {  	_ =	sdelay $0x3  }
0xa2: {  	s22 =	sadd.s32 $0x1, s22  }
0xa3: {  	p0 =	sne.s32 s22, s10  }
.Ltmp4:
0xa4: {  	_ = 	snop;
	(pc) =	sbr.rel @p0 .LBB2_1-.Ltmp4, $4  }
0xa5: {  	[hbm4b:s9+s2] =	stream.linear.scatter [tilespmem:s21], [sflag:$0x4], $0x1900, $0x38;
	[tilespmem:$0x15600] =	vst v63  }
0xa6: {  	_ =	swait.ge [sflag:s11], $0x1900  }
0xa7: {  	[sflag:s11] =	ssyncset.done $0x0  }
0xa8: {  	[sflag:s11] =	ssyncadd.s32 $0xFFFFE700  }
0xa9: {  	_ =	sfence.sel $0x180000  }
0xaa: {  	[bflag:$0x0] =	sbarrier.arrive $0xFFFF  }
0xab: {  	_ =	strace $0x9000004A  }
0xac: {  	s0 =	stileid.u32;
	[bflag:$0x2] =	sbarrier.arrive $0xFFFF  }
0xad: {  	p0 =	sne.s32 s0, $0x0;
	s0 =	rddreg [dreg:$0x2]  }
0xae: {  	s0 =	sadd.s32 @!p0 $0x100000, s0  }
0xaf: {  	[sflag:s0] =	ssyncadd.tile.s32 @!p0 $0x1;
	_ =	shalt  }
.Lfunc_end2:
_tile_overlayer_lowered:
.L_overlay_start_2:
0xb0: {  	(tag) =	ssettag $0x2  }
0xb1: {  	s0 =	rddreg [dreg:$0x0];
	s2 =	stileid.u32  }
0xb2: {  	s1 =	rddreg [dreg:$0x1];
	p0 =	sne.s32 s2, $0x0  }
0xb3: {  	s3 =	rddreg [dreg:$0x2];
	[bflag:$0x3] =	sbarrier.arrive $0xFFFF;
	s2 =	simm.s32 @!p0 $0x1C04  }
0xb4: {  	[timem:s3], [sflag:s2] =	dma.local @!p0 [hbm:s0], s1  }
0xb5: {  	s0 =	simm.s32 @!p0 $0x4  }
0xb6: {  	_ =	swait.ge @!p0 [sflag:s0], s1  }
0xb7: {  	s1 =	ssub.s32 @!p0 $0x0, s1;
	[sflag:s0] =	ssyncset.done @!p0 $0x0  }
0xb8: {  	[sflag:s0] =	ssyncadd.s32 @!p0 s1  }
0xb9: {  	[bflag:$0x3] =	sbarrier.arrive $0xFFFF  }
0xba: {  	_ =	shalt  }

// kernel: sparse-core-data-format-call.cloned.1.call-start
scs
called_computation_lowered:
.L_overlay_start_0:
0x0: {  	s2 =	sld [smem:$0x3FD9]  }
0x1: {  	s3 =	sld [smem:$0x3FFE];
	_ =	sdelay $0x1  }
0x2: {  	s1 =	srdreg.scid  }
0x3: {  	s0 =	sand.u32 $0x1, s1  }
0x4: {  	s18 =	sshll.u32 s0, $0xA;
	s2 =	sadd.s32 s3, s2  }
0x5: {  	s2 =	sadd.s32 s2, s18  }
0x6: {  	[smem:$0x3FC4] =	sst s2  }
0x7: {  	_ = 	snop  }
0x8: {  	s2 =	sld [smem:$0x3FC6];
	(tm) =	ssettm $0x1  }
0x9: {  	s19 =	sld [smem:$0x3FFB];
	_ =	sdelay $0x3  }
0xa: {  	_ =	strace s19  }
0xb: {  	s3 =	sld [smem:$0x3FFC];
	_ =	sdelay $0x3  }
0xc: {  	_ =	strace s3  }
0xd: {  	s3 =	sld [smem:$0x3FFD];
	_ =	sdelay $0x3  }
0xe: {  	_ =	strace s3  }
0xf: {  	_ =	strace $0x8FFFFFFF  }
0x10: {  	s20 =	sld [smem:$0x3FDB];
	_ =	sdelay $0x1  }
0x11: {  	s4 =	simm.s32 $_scs_section_size  }
0x12: {  	s5 =	simm.s32 $_size__tile_overlayer_lowered;
	s6 =	simm.s32 $_tile_overlayer_lowered  }
0x13: {  	s23 =	simm.s32 $0x1BFF;
	s22 =	sshll.u32 s6, $0x1;
	s3 =	sadd.s32 s4, s20  }
0x14: {  	s7 =	simm.s32 $0x0;
	s21 =	sshll.u32 s5, $0x1;
	s5 =	sadd.s32 s22, s3  }
0x15: {  	[timem:s7], [sflag:s23] =	dma.local [hbm:s5], s21  }
0x16: {  	_ =	swait.ge [sflag:s23], s21  }
0x17: {  	s4 =	ssub.s32 $0x0, s21;
	[sflag:s23] =	ssyncset.done $0x0  }
0x18: {  	[sflag:s23] =	ssyncadd.s32 s4;
	_ =	sdelay $0x1  }
0x19: {  	s24 =	simm.s32 $0x1B8B  }
0x1a: {  	_ =	swait.ge [sflag:s24], $0x1  }
0x1b: {  	[sflag:s24] =	ssyncset.done $0x0  }
0x1c: {  	s26 =	simm.s32 $0x1B8E;
	s25 =	sld [smem:$0x3FFE];
	[sflag:s24] =	ssyncadd.s32 $0xFFFFFFFF  }
0x1d: {  	s27 =	simm.s32 $execute0_lowered;
	[smem:$0x3FD2] =	sst s26  }
0x1e: {  	s5 =	sshll.u32 s27, $0x1;
	_ =	strace $0x80000046;
	[dreg:$0x1] =	wrdreg $0xFFFFFFFF  }
0x1f: {  	s28 =	simm.s32 $_size_execute0_lowered;
	s3 =	sadd.s32 s3, s5;
	[dreg:$0x0] =	wrdreg $0x0  }
0x20: {  	s5 =	sshll.u32 s28, $0x1;
	[dreg:$0x2] =	wrdreg s3  }
0x21: {  	[dreg:$0x3] =	wrdreg s5  }
0x22: {  	[dreg:$0x4] =	wrdreg $0xC0  }
0x23: {  	_ =	task [dreg:s7], $0x5FFFF  }
0x24: {  	[dreg:$0x1] =	wrdreg $0xFFFFFFFF  }
0x25: {  	[dreg:$0x0] =	wrdreg $0x60  }
0x26: {  	[dreg:$0x2] =	wrdreg s2  }
0x27: {  	[dreg:$0x3] =	wrdreg s25  }
0x28: {  	[dreg:$0x4] =	wrdreg $0x9  }
0x29: {  	_ =	task.clear_ibuf [dreg:s7], $0x5FFFF;
	_ =	strace $0x90000046  }
0x2a: {  	s29 =	simm.s32 $0x9;
	_ =	strace $0x80000048  }
0x2b: {  	_ =	swait.ge [sflag:s29], $0x1  }
0x2c: {  	[sflag:s29] =	ssyncadd.s32 $0xFFFFFFFF  }
0x2d: {  	_ =	strace $0x90000048  }
0x2e: {  	_ =	sfence  }
0x2f: {  	s30 =	sld [smem:$0x0];
	_ =	sdelay $0x2  }
0x30: {  	s31 =	sshll.u32 s1, $0xD;
	s1 =	sshrl.u32 s1, $0x2  }
0x31: {  	s3 =	sand.u32 $0x4000, s31;
	s1 =	sadd.s32 s1, s30  }
0x32: {  	s0 =	sor.u32 s3, s0;
	s1 =	sshll.u32 s1, $0x11  }
0x33: {  	s0 =	sor.u32 s1, s0  }
0x34: {  	s0 =	sadd.s32 $0x8F2B, s0  }
0x35: {  	[sflag:s0] =	ssyncadd.remote.s32 $0x1  }
0x36: {  	_ =	sfence.sel $0xFFFF  }
0x37: {  	[dreg:$0x0] =	wrdreg $0xFFFFFFFF;
	(pc) =	sbr.abs _section_cstart, $3  }
0x38: {  	[dreg:$0x1] =	wrdreg $0xFFFFFFFF  }
0x39: {  	_ =	task.clear_ibuf [dreg:s7], $0x2FFFF;
	_ =	strace $0x9FFFFFFF  }
0x3a: {  	(tm) =	ssettm $0x7FFFFFFF  }
0x3b: {  	_ =	shalt  }
tec
execute0_lowered:
.L_overlay_start_1:
0x0: {  	(tag) =	ssettag $0x1  }
0x1: {  	s0 =	srdreg.scid  }
0x2: {  	s1 =	sshll.u32 s0, $0x4  }
0x3: {  	s2 =	rddreg [dreg:$0x0];
	s0 =	stileid.u32;
	s1 =	sand.u32 $0x10, s1  }
0x4: {  	s4 =	rddreg [dreg:$0x1];
	s7 =	simm.s32 $0x1;
	s1 =	sor.u32 s0, s1  }
0x5: {  	s8 =	simm.s32 $0x2;
	s9 =	simm.s32 $0x0;
	s3 =	sshll.u32 s1, $0x3  }
0x6: {  	s12 =	simm.s32 $0x0;
	s11 =	simm.s32 $0x0;
	s6 =	ssub.s32 $0x3EC0, s3  }
.Ltmp0:
0x7: {  	s4 =	sadd.s32 $0xE00, s4;
	s5 =	sand.u32 $0xF8, s6;
	(pc) =	sbr.rel .LBB1_1-.Ltmp0, $4  }
0x8: {  	s1 =	rddreg [dreg:$0x2];
	_ =	strace $0x80000047;
	p0 =	sne.s32 s5, $0x0  }
0x9: {  	s6 =	sshrl.u32 s6, $0x8;
	s5 =	simm.s32 $0x1;
	s7 =	simm.s32 @!p0 $0x0  }
0xa: {  	s10 =	smov.u32 s3;
	[sflag:s5] =	ssyncpa.u1 $0x0;
	s6 =	sadd.s32 s7, s6  }
0xb: {  	[sflag:s8] =	ssyncpa.u1 $0x0;
	s8 =	simm.s32 $0x0;
	s7 =	sadd.s32 $0x1, s6  }
.LBB1_9:
0xc: {  	s14 =	sadd.s32 $0x100, s10  }
0xd: {  	p1 =	sgt.s32 s14, $0x3EBF  }
0xe: {  	s14 =	smov.u32 @p1 s3;
	p1 =	sne.s32 s11, s7  }
.Ltmp1:
0xf: {  	p0 =	slt.u32 s11, $0x2;
	(pc) =	sbr.rel @!p1 .LBB1_10-.Ltmp1, $4  }
0x10: {  	s13 =	simm.s32 @!p0 $0x2  }
0x11: {  	s15 =	sadd.s32 $0x1, s11;
	_ =	swait.ge @!p0 [sflag:s13], $0x4000  }
0x12: {  	s12 =	smov.u32 s10;
	s9 =	sadd.s32 $0x4000, s9;
	[sflag:s13] =	ssyncset.done @!p0 $0x0  }
0x13: {  	s11 =	smov.u32 s15;
	s10 =	smov.u32 s14;
	[sflag:s13] =	ssyncadd.s32 @!p0 $0xFFFFC000  }
.LBB1_1:
0x14: {  	p0 =	sge.u32 s11, s6  }
0x15: {  	s13 =	sxor.u32 @!p0 $0xFFFFFFFF, s11  }
0x16: {  	s31 =	sadd.s32 $0xFFFFFFFF, s11;
	s14 =	sshll.u32 @!p0 s10, $0x8;
	s13 =	sshll.u32 @!p0 s13, $0xE  }
0x17: {  	s15 =	simm.s32 @!p0 $0x0;
	s14 =	sadd.s32 @!p0 s2, s14;
	s13 =	sand.u32 @!p0 $0x4000, s13  }
0x18: {  	[tilespmem:s13], [sflag:$0x1] =	stream.linear.gather @!p0 [hbm4b:s14+s15], $0x4000, $0x38;
	[tilespmem:$0x10000] =	vst v63  }
0x19: {  	p0 =	sge.u32 s31, s6  }
.Ltmp2:
0x1a: {  	_ = 	snop;
	(pc) =	sbr.rel @p0 .LBB1_9-.Ltmp2, $1  }
0x1b: {  	_ =	sdelay $0x3  }
0x1c: {  	s13 =	sshll.u32 s9, $0x2;
	_ =	swait.ge [sflag:s5], $0x4000;
	s14 =	sshll.u32 s11, $0xE  }
0x1d: {  	s16 =	simm.s32 $0x0;
	s17 =	simm.s32 $0x0;
	s15 =	sand.u32 $0x10000, s13  }
0x1e: {  	[sflag:s5] =	ssyncset.done $0x0;
	s31 =	sand.u32 $0x4000, s14;
	s14 =	sshrl.u32 s15, $0x2  }
0x1f: {  	[sflag:s5] =	ssyncadd.s32 $0xFFFFC000;
	s13 =	sor.u32 $0x8000, s31;
	s15 =	sor.u32 $0x8000, s14  }
.LBB1_3:
0x20: {  	s18 =	sshra.s32 s16, $0x2  }
0x21: {  	v0 =	vmov s18;
	_ =	sdelay $0x3  }
0x22: {  	p1 =	por $0x1, $0x1;
	s18 =	simm.s32 $0x0  }
.LBB1_4:
0x23: {  	_ = 	snop  }
0x24: {  	s19 =	sshll.u32 s18, $0xA  }
0x25: {  	s19 =	sand.u32 $0x3FFFFC00, s19  }
0x26: {  	s19 =	sadd.s32 s19, s14  }
0x27: {  	v5 =	vld.idx.msk [tilespmem:v0+s19+$0x70 ss:$0x1], $0xffff  }
0x28: {  	v6 =	vld.idx.msk [tilespmem:v0+s19+$0x10 ss:$0x1], $0xffff  }
0x29: {  	v7 =	vld.idx.msk [tilespmem:v0+s19+$0x20 ss:$0x1], $0xffff  }
0x2a: {  	s31 =	sshll.u32 s18, $0x7;
	v1 =	vld.idx.msk [tilespmem:v0+s19+$0x30 ss:$0x1], $0xffff  }
0x2b: {  	s18 =	sand.u32 $0x3FFFFF80, s31;
	v2 =	vld.idx.msk [tilespmem:v0+s19+$0x40 ss:$0x1], $0xffff  }
0x2c: {  	s18 =	sadd.s32 s18, s15;
	v3 =	vld.idx.msk [tilespmem:v0+s19+$0x50 ss:$0x1], $0xffff  }
0x2d: {  	v4 =	vld.idx.msk [tilespmem:v0+s19+$0x60 ss:$0x1], $0xffff;
	[tilespmem:v0+s18+$0x70 ss:$0x1] =	vst.idx.msk $0xffff, v5  }
0x2e: {  	v5 =	vld.idx.msk [tilespmem:v0+s19+$0x0 ss:$0x1], $0xffff;
	[tilespmem:v0+s18+$0x10 ss:$0x1] =	vst.idx.msk $0xffff, v6;
	s19 =	sadd.s32 $0x80, s19  }
0x2f: {  	p0 =	por p1, p1;
	s20 =	simm.s32 $0x6;
	[tilespmem:v0+s18+$0x20 ss:$0x1] =	vst.idx.msk $0xffff, v7;
	v6 =	vld.idx.msk [tilespmem:v0+s19+$0x70 ss:$0x1], $0xffff  }
.LBB1_5:
0x30: {  	p1 =	sne.s32 s20, $0x1;
	v7 =	vld.idx.msk [tilespmem:v0+s19+$0x10 ss:$0x1], $0xffff;
	[tilespmem:v0+s18+$0x30 ss:$0x1] =	vst.idx.msk $0xffff, v1  }
0x31: {  	v8 =	vld.idx.msk [tilespmem:v0+s19+$0x20 ss:$0x1], $0xffff;
	[tilespmem:v0+s18+$0x40 ss:$0x1] =	vst.idx.msk $0xffff, v2  }
0x32: {  	v1 =	vld.idx.msk [tilespmem:v0+s19+$0x30 ss:$0x1], $0xffff;
	[tilespmem:v0+s18+$0x50 ss:$0x1] =	vst.idx.msk $0xffff, v3  }
.Ltmp3:
0x33: {  	v2 =	vld.idx.msk [tilespmem:v0+s19+$0x40 ss:$0x1], $0xffff;
	[tilespmem:v0+s18+$0x60 ss:$0x1] =	vst.idx.msk $0xffff, v4;
	(pc) =	sbr.rel @p1 .LBB1_5-.Ltmp3, $4  }
0x34: {  	v3 =	vld.idx.msk [tilespmem:v0+s19+$0x50 ss:$0x1], $0xffff;
	[tilespmem:v0+s18+$0x0 ss:$0x1] =	vst.idx.msk $0xffff, v5;
	s18 =	sadd.s32 $0x100, s18  }
0x35: {  	v4 =	vld.idx.msk [tilespmem:v0+s19+$0x60 ss:$0x1], $0xffff;
	[tilespmem:v0+s18+$0x70 ss:$0x1] =	vst.idx.msk $0xffff, v6  }
0x36: {  	v5 =	vld.idx.msk [tilespmem:v0+s19+$0x0 ss:$0x1], $0xffff;
	[tilespmem:v0+s18+$0x10 ss:$0x1] =	vst.idx.msk $0xffff, v7;
	s19 =	sadd.s32 $0x80, s19  }
0x37: {  	s20 =	sadd.s32 $0xFFFFFFFF, s20;
	v6 =	vld.idx.msk [tilespmem:v0+s19+$0x70 ss:$0x1], $0xffff;
	[tilespmem:v0+s18+$0x20 ss:$0x1] =	vst.idx.msk $0xffff, v8  }
0x38: {  	_ =	sdelay $0x3  }
0x39: {  	[tilespmem:v0+s18+$0x30 ss:$0x1] =	vst.idx.msk $0xffff, v1  }
0x3a: {  	v1 =	vld.idx.msk [tilespmem:v0+s19+$0x10 ss:$0x1], $0xffff;
	[tilespmem:v0+s18+$0x40 ss:$0x1] =	vst.idx.msk $0xffff, v2  }
0x3b: {  	v2 =	vld.idx.msk [tilespmem:v0+s19+$0x20 ss:$0x1], $0xffff;
	[tilespmem:v0+s18+$0x50 ss:$0x1] =	vst.idx.msk $0xffff, v3  }
0x3c: {  	v61 =	vld.idx.msk [tilespmem:v0+s19+$0x40 ss:$0x1], $0xffff;
	[tilespmem:v0+s18+$0x60 ss:$0x1] =	vst.idx.msk $0xffff, v4  }
0x3d: {  	s31 =	sadd.s32 $0x100, s18;
	v62 =	vld.idx.msk [tilespmem:v0+s19+$0x50 ss:$0x1], $0xffff;
	[tilespmem:v0+s18+$0x0 ss:$0x1] =	vst.idx.msk $0xffff, v5  }
0x3e: {  	v63 =	vld.idx.msk [tilespmem:v0+s19+$0x60 ss:$0x1], $0xffff;
	[tilespmem:v0+s31+$0x70 ss:$0x1] =	vst.idx.msk $0xffff, v6  }
0x3f: {  	v3 =	vld.idx.msk [tilespmem:v0+s19+$0x30 ss:$0x1], $0xffff;
	[tilespmem:v0+s31+$0x10 ss:$0x1] =	vst.idx.msk $0xffff, v1  }
0x40: {  	v1 =	vld.idx.msk [tilespmem:v0+s19+$0x0 ss:$0x1], $0xffff;
	[tilespmem:v0+s31+$0x20 ss:$0x1] =	vst.idx.msk $0xffff, v2  }
.Ltmp4:
0x41: {  	[tilespmem:v0+s31+$0x40 ss:$0x1] =	vst.idx.msk $0xffff, v61;
	(pc) =	sbr.rel @p0 .LBB1_4-.Ltmp4, $4  }
0x42: {  	[tilespmem:v0+s31+$0x50 ss:$0x1] =	vst.idx.msk $0xffff, v62  }
0x43: {  	[tilespmem:v0+s31+$0x60 ss:$0x1] =	vst.idx.msk $0xffff, v63  }
0x44: {  	[tilespmem:v0+s31+$0x30 ss:$0x1] =	vst.idx.msk $0xffff, v3  }
0x45: {  	p1 =	por $0x0, $0x0;
	s18 =	simm.s32 $0x1;
	[tilespmem:v0+s31+$0x0 ss:$0x1] =	vst.idx.msk $0xffff, v1  }
0x46: {  	s17 =	sadd.s32 $0x1, s17  }
0x47: {  	p0 =	sne.s32 s17, $0x8  }
.Ltmp5:
0x48: {  	_ = 	snop;
	(pc) =	sbr.rel @p0 .LBB1_3-.Ltmp5, $2  }
0x49: {  	_ =	sdelay $0x2  }
0x4a: {  	s16 =	sadd.s32 $0x2000, s16  }
.Ltmp6:
0x4b: {  	(pc) =	sbr.rel .LBB1_9-.Ltmp6, $4  }
0x4c: {  	_ = 	snop  }
0x4d: {  	s12 =	sshll.u32 s12, $0x8  }
0x4e: {  	s12 =	sadd.s32 s4, s12  }
0x4f: {  	[hbm4b:s12+s8] =	stream.linear.scatter [tilespmem:s13], [sflag:$0x2], $0x4000, $0x38;
	[tilespmem:$0x10000] =	vst v63  }
.LBB1_10:
0x50: {  	_ =	sfence.sel $0x180000  }
0x51: {  	s2 =	simm.s32 $0x1;
	[bflag:$0x0] =	sbarrier.arrive $0xFFFF  }
0x52: {  	s31 =	simm.s32 $0x2;
	[sflag:s2] =	ssyncpa.u1 $0x1  }
0x53: {  	[sflag:s31] =	ssyncpa.u1 $0x1  }
0x54: {  	p0 =	sne.s32 s0, $0x0;
	_ =	strace $0x90000047  }
0x55: {  	s0 =	sadd.s32 @!p0 $0x100000, s1;
	[bflag:$0x2] =	sbarrier.arrive $0xFFFF  }
0x56: {  	[sflag:s0] =	ssyncadd.tile.s32 @!p0 $0x1;
	_ =	shalt  }
.Lfunc_end1:
_tile_overlayer_lowered:
.L_overlay_start_2:
0x57: {  	(tag) =	ssettag $0x2  }
0x58: {  	s0 =	rddreg [dreg:$0x0];
	s2 =	stileid.u32  }
0x59: {  	s1 =	rddreg [dreg:$0x1];
	p0 =	sne.s32 s2, $0x0  }
0x5a: {  	s3 =	rddreg [dreg:$0x2];
	[bflag:$0x3] =	sbarrier.arrive $0xFFFF;
	s2 =	simm.s32 @!p0 $0x1C01  }
0x5b: {  	[timem:s3], [sflag:s2] =	dma.local @!p0 [hbm:s0], s1  }
0x5c: {  	s0 =	simm.s32 @!p0 $0x1  }
0x5d: {  	_ =	swait.ge @!p0 [sflag:s0], s1  }
0x5e: {  	s1 =	ssub.s32 @!p0 $0x0, s1;
	[sflag:s0] =	ssyncset.done @!p0 $0x0  }
0x5f: {  	[sflag:s0] =	ssyncadd.s32 @!p0 s1  }
0x60: {  	[bflag:$0x3] =	sbarrier.arrive $0xFFFF  }
0x61: {  	_ =	shalt  }

</sc_bundles>
